<compile_context>
chip_gen: v7x
topology: tpu7x:2x2x1
jax: 0.10.2.dev20260603
libtpu: 0.0.44.dev20260713+nightly
codegen_flags: <defaults>
</compile_context>

<pallas_src>
import jax
import jax.numpy as jnp
from jax import lax
from jax.experimental import pallas as pl
from jax.experimental.pallas import tpu as pltpu
from jax.experimental.pallas import tpu_sc as plsc

N_NODES = 10000
N_EDGES = 320000
D = 128

NC = 2
NS = 16
CHUNK = 80
ROWS_PER_TILE = N_EDGES // (NC * NS * CHUNK)
PIECE = CHUNK
NPIECES = N_NODES // PIECE
PIECES_PER_TILE = -(-NPIECES // NS)
CN = 10240
CPIECE = 2048


NB = 3


def _sc_body(src_hbm, idx_hbm, sums_hbm, counts_hbm,
             acc, cnt, idx_v, row0, row1, row2, cstage_v, ones_v,
             ld0, ld1, ld2, sc0, sc1, sc2, ct0, ct1, ct2, idxsem):
    rows = (row0, row1, row2)
    ldsem = (ld0, ld1, ld2)
    scsem = (sc0, sc1, sc2)
    ctsem = (ct0, ct1, ct2)
    zbuf = row2
    c = lax.axis_index("c")
    s = lax.axis_index("s")

    wid = c * NS + s
    base_row = wid * ROWS_PER_TILE

    def src_slice(cur):
        return src_hbm.at[pl.ds((base_row + cur) * CHUNK, CHUNK)]

    idx_cp = pltpu.make_async_copy(idx_hbm.at[1, wid], idx_v, idxsem)
    idx_cp.start()
    pltpu.async_copy(src_slice(0), rows[0], ldsem[0])
    pltpu.async_copy(src_slice(1), rows[1], ldsem[1])

    zf = jnp.zeros((16,), jnp.float32)

    @pl.loop(0, CHUNK * D // 16)
    def _(i):
        zbuf[i // (D // 16), pl.ds((i % (D // 16)) * 16, 16)] = zf

    @pl.loop(0, CHUNK // 16)
    def _(i):
        ones_v[pl.ds(i * 16, 16)] = jnp.ones((16,), jnp.float32)

    for k in range(PIECES_PER_TILE):
        p = s + k * NS

        @pl.when(p < NPIECES)
        def _():
            pltpu.sync_copy(zbuf, acc.at[pl.ds(p * PIECE, PIECE)])

    @pl.when(s < CN // CPIECE)
    def _():
        @pl.loop(0, CPIECE // 16)
        def _(i):
            cstage_v[pl.ds(i * 16, 16)] = zf
        pltpu.sync_copy(cstage_v, cnt.at[pl.ds(s * CPIECE, CPIECE)])

    plsc.subcore_barrier()

    idx_cp.wait()


    @pl.loop(0, ROWS_PER_TILE, step=NB)
    def _(r0):
        for b in range(NB):
            cur = r0 + b

            @pl.when(cur < ROWS_PER_TILE)
            def _():
                pltpu.make_async_copy(src_slice(cur), rows[b], ldsem[b]).wait()
                idx_row = idx_v.at[cur]
                pltpu.async_copy(rows[b], acc.at[idx_row], scsem[b], add=True)
                pltpu.async_copy(ones_v, cnt.at[idx_row], ctsem[b], add=True)
                bn = (b + 2) % NB

                @pl.when(cur >= 1)
                def _():
                    prev_idx = idx_v.at[cur - 1]
                    pltpu.make_async_copy(
                        rows[bn], acc.at[prev_idx], scsem[bn]).wait()
                    pltpu.make_async_copy(
                        ones_v, cnt.at[prev_idx], ctsem[bn]).wait()

                @pl.when(cur + 2 < ROWS_PER_TILE)
                def _():
                    pltpu.async_copy(src_slice(cur + 2), rows[bn], ldsem[bn])

    last = ROWS_PER_TILE - 1
    bl = last % NB
    last_idx = idx_v.at[last]
    pltpu.make_async_copy(rows[bl], acc.at[last_idx], scsem[bl]).wait()
    pltpu.make_async_copy(ones_v, cnt.at[last_idx], ctsem[bl]).wait()

    plsc.subcore_barrier()

    for k in range(PIECES_PER_TILE):
        p = s + k * NS

        @pl.when(p < NPIECES)
        def _():
            off = p * PIECE
            pltpu.async_copy(
                acc.at[pl.ds(off, PIECE)], sums_hbm.at[c, pl.ds(off, PIECE)],
                idxsem)

    @pl.when(s < CN // CPIECE)
    def _():
        pltpu.async_copy(
            cnt.at[pl.ds(s * CPIECE, CPIECE)],
            counts_hbm.at[pl.ds(c * CN + s * CPIECE, CPIECE)], idxsem)

    for k in range(PIECES_PER_TILE):
        p = s + k * NS

        @pl.when(p < NPIECES)
        def _():
            off = p * PIECE
            pltpu.make_async_copy(
                acc.at[pl.ds(off, PIECE)], sums_hbm.at[c, pl.ds(off, PIECE)],
                idxsem).wait()

    @pl.when(s < CN // CPIECE)
    def _():
        pltpu.make_async_copy(
            cnt.at[pl.ds(s * CPIECE, CPIECE)],
            counts_hbm.at[pl.ds(c * CN + s * CPIECE, CPIECE)], idxsem).wait()


_sc_agg = pl.kernel(
    _sc_body,
    out_type=(
        jax.ShapeDtypeStruct((NC, N_NODES, D), jnp.float32),
        jax.ShapeDtypeStruct((NC * CN,), jnp.float32),
    ),
    mesh=plsc.VectorSubcoreMesh(core_axis_name="c", subcore_axis_name="s"),
    scratch_types=[
        pltpu.VMEM_SHARED((N_NODES, D), jnp.float32),
        pltpu.VMEM_SHARED((CN,), jnp.float32),
        pltpu.VMEM((ROWS_PER_TILE, CHUNK), jnp.int32),
        pltpu.VMEM((CHUNK, D), jnp.float32),
        pltpu.VMEM((CHUNK, D), jnp.float32),
        pltpu.VMEM((CHUNK, D), jnp.float32),
        pltpu.VMEM((CPIECE,), jnp.float32),
        pltpu.VMEM((CHUNK,), jnp.float32),
    ] + [pltpu.SemaphoreType.DMA] * 10,
)

ROWS_BLK = 2000


def _tc_body(sums_ref, counts_ref, w_ref, b_ref, out_ref):
    total = sums_ref[0] + sums_ref[1]
    cnt = counts_ref[:, 0:1] + counts_ref[:, 1:2]
    mean = total / jnp.maximum(cnt, 1.0)
    out_ref[...] = lax.dot_general(
        mean, w_ref[...], (((1,), (1,)), ((), ())),
        preferred_element_type=jnp.float32,
        precision=lax.Precision.HIGHEST,
    ) + b_ref[...]


_tc_linear = pl.pallas_call(
    _tc_body,
    grid=(N_NODES // ROWS_BLK,),
    in_specs=[
        pl.BlockSpec((NC, ROWS_BLK, D), lambda i: (0, i, 0)),
        pl.BlockSpec((ROWS_BLK, NC), lambda i: (i, 0)),
        pl.BlockSpec((D, D), lambda i: (0, 0)),
        pl.BlockSpec((1, D), lambda i: (0, 0)),
    ],
    out_specs=pl.BlockSpec((ROWS_BLK, D), lambda i: (i, 0)),
    out_shape=jax.ShapeDtypeStruct((N_NODES, D), jnp.float32),
)


def kernel(source_node_representation_with_coefficient, edge_index, feature_dim, W, b):
    src = source_node_representation_with_coefficient
    idx4d = edge_index.astype(jnp.int32).reshape(2, NC * NS, ROWS_PER_TILE, CHUNK)
    sums, counts_flat = _sc_agg(src, idx4d)
    counts_t = counts_flat.reshape(NC, CN)[:, :N_NODES].T
    return _tc_linear(sums, counts_t, W, b.reshape(1, D))

# --- scband reference (transcript-rebuilt; emitter-appended) ---
"""Pipeline reference for scband-aggregation-53429393162616 (READ-ONLY COPY).

The authoritative reference and input builder live on the scoring server;
editing this copy changes nothing except your own understanding.
"""

import jax, jax.numpy as jnp
import numpy as np

N_NODES = 10000
N_EDGES = 320000
D = 128

def setup_inputs(seed: int = 0) -> dict:
    key = jax.random.key(seed)
    k1, k2, k3, k4 = jax.random.split(key, 4)
    src = jax.random.normal(k1, (N_EDGES, D), dtype=jnp.float32)
    edge_index = jax.random.randint(k2, (2, N_EDGES), 0, N_NODES, dtype=jnp.int64)
    # Linear layer parameters (feature_dim -> feature_dim), torch default init
    bound = 1.0 / np.sqrt(D)
    W = jax.random.uniform(k3, (D, D), minval=-bound, maxval=bound, dtype=jnp.float32)
    b = jax.random.uniform(k4, (D,), minval=-bound, maxval=bound, dtype=jnp.float32)
    return {
        'source_node_representation_with_coefficient': src,
        'edge_index': edge_index,
        'feature_dim': D,
        'W': W,
        'b': b,
    }

def reference(source_node_representation_with_coefficient, edge_index, feature_dim, W, b):
    src = source_node_representation_with_coefficient
    dst = edge_index[1]
    # scatter_mean(src, dst, dim=0): segment sum / segment count (0 for empty segments)
    summed = jax.ops.segment_sum(src, dst, num_segments=N_NODES)
    counts = jax.ops.segment_sum(jnp.ones((src.shape[0],), dtype=src.dtype), dst, num_segments=N_NODES)
    aggregated = summed / jnp.clip(counts, 1.0, None)[:, None]
    # nn.Linear(feature_dim, feature_dim)
    output = aggregated @ W.T + b
    return output

if __name__ == "__main__":
    import jax
    _d = setup_inputs()
    print(jax.jit(kernel)(*tuple(_d.values())))

</pallas_src>

<mosaic_0001>
#map = affine_map<(d0, d1) -> (0, 0)>
#map1 = affine_map<(d0, d1) -> (0, 0, 0, 0)>
#map2 = affine_map<(d0, d1) -> (0, 0, 0)>
#map3 = affine_map<(d0, d1) -> (0)>
module attributes {stable_mosaic.version = 14 : i64} {
  func.func @_sc_body(%arg0: i32, %arg1: i32, %arg2: memref<320000x128xf32, #tpu.memory_space<hbm>>, %arg3: memref<2x32x125x80xi32, #tpu.memory_space<hbm>>, %arg4: memref<2x10000x128xf32, #tpu.memory_space<hbm>>, %arg5: memref<20480xf32, #tpu.memory_space<hbm>>, %arg6: memref<10000x128xf32, #tpu.memory_space<vmem_shared>>, %arg7: memref<10240xf32, #tpu.memory_space<vmem_shared>>, %arg8: memref<125x80xi32, #tpu.memory_space<vmem>>, %arg9: memref<80x128xf32, #tpu.memory_space<vmem>>, %arg10: memref<80x128xf32, #tpu.memory_space<vmem>>, %arg11: memref<80x128xf32, #tpu.memory_space<vmem>>, %arg12: memref<2048xf32, #tpu.memory_space<vmem>>, %arg13: memref<80xf32, #tpu.memory_space<vmem>>, %arg14: memref<!tpu.dma_semaphore, #tpu.memory_space<semaphore_mem>>, %arg15: memref<!tpu.dma_semaphore, #tpu.memory_space<semaphore_mem>>, %arg16: memref<!tpu.dma_semaphore, #tpu.memory_space<semaphore_mem>>, %arg17: memref<!tpu.dma_semaphore, #tpu.memory_space<semaphore_mem>>, %arg18: memref<!tpu.dma_semaphore, #tpu.memory_space<semaphore_mem>>, %arg19: memref<!tpu.dma_semaphore, #tpu.memory_space<semaphore_mem>>, %arg20: memref<!tpu.dma_semaphore, #tpu.memory_space<semaphore_mem>>, %arg21: memref<!tpu.dma_semaphore, #tpu.memory_space<semaphore_mem>>, %arg22: memref<!tpu.dma_semaphore, #tpu.memory_space<semaphore_mem>>, %arg23: memref<!tpu.dma_semaphore, #tpu.memory_space<semaphore_mem>>) attributes {dimension_semantics = [#tpu.dimension_semantics<core_parallel>, #tpu.dimension_semantics<subcore_parallel>], iteration_bounds = array<i64: 2, 16>, scalar_prefetch = 0 : i64, scratch_operands = 18 : i64, tpu.core_type = #tpu.core_type<sc_vector_subcore>, window_params = [{transform_indices = #map}, {transform_indices = #map1}, {transform_indices = #map2}, {transform_indices = #map3}]} {
    %mul3A = arith.constant 16 : i32
    %mul3A_0 = arith.muli %arg0, %mul3A : i32
    %add3A = arith.addi %mul3A_0, %arg1 : i32
    %mul3A_1 = arith.constant 125 : i32
    %mul3A_2 = arith.muli %add3A, %mul3A_1 : i32
    %dma_start3A = arith.constant 1 : i32
    %dma_start3A_3 = arith.constant 0 : i32
    %dma_start3A_4 = arith.constant 0 : i32
    %dma_start3A_5 = tpu.memref_slice %arg3[%dma_start3A, %add3A, %dma_start3A_3, %dma_start3A_4] : memref<2x32x125x80xi32, #tpu.memory_space<hbm>> -> memref<1x1x125x80xi32, #tpu.memory_space<hbm>>
    %dma_start3A_6 = tpu.memref_squeeze %dma_start3A_5 : memref<1x1x125x80xi32, #tpu.memory_space<hbm>> -> memref<125x80xi32, #tpu.memory_space<hbm>>
    %dma_start3A_7 = arith.constant 0 : i32
    %dma_start3A_8 = arith.constant 0 : i32
    %dma_start3A_9 = tpu.memref_slice %arg3[%dma_start3A, %add3A, %dma_start3A_7, %dma_start3A_8] : memref<2x32x125x80xi32, #tpu.memory_space<hbm>> -> memref<1x1x125x80xi32, #tpu.memory_space<hbm>>
    %dma_start3A_10 = tpu.memref_squeeze %dma_start3A_9 : memref<1x1x125x80xi32, #tpu.memory_space<hbm>> -> memref<125x80xi32, #tpu.memory_space<hbm>>
    tpu.enqueue_dma source(%dma_start3A_10 : memref<125x80xi32, #tpu.memory_space<hbm>>) target(%arg8 : memref<125x80xi32, #tpu.memory_space<vmem>>) target_semaphore(%arg23 : memref<!tpu.dma_semaphore, #tpu.memory_space<semaphore_mem>>)
    %add3A_11 = arith.constant 0 : i32
    %add3A_12 = arith.addi %mul3A_2, %add3A_11 : i32
    %mul3A_13 = arith.constant 80 : i32
    %mul3A_14 = arith.muli %add3A_12, %mul3A_13 : i32
    %dma_start3A_15 = arith.constant 0 : i32
    %dma_start3A_16 = tpu.memref_slice %arg2[%mul3A_14, %dma_start3A_15] : memref<320000x128xf32, #tpu.memory_space<hbm>> -> memref<80x128xf32, #tpu.memory_space<hbm>>
    %dma_start3A_17 = arith.constant 0 : i32
    %dma_start3A_18 = tpu.memref_slice %arg2[%mul3A_14, %dma_start3A_17] : memref<320000x128xf32, #tpu.memory_space<hbm>> -> memref<80x128xf32, #tpu.memory_space<hbm>>
    tpu.enqueue_dma source(%dma_start3A_18 : memref<80x128xf32, #tpu.memory_space<hbm>>) target(%arg9 : memref<80x128xf32, #tpu.memory_space<vmem>>) target_semaphore(%arg14 : memref<!tpu.dma_semaphore, #tpu.memory_space<semaphore_mem>>)
    %add3A_19 = arith.constant 1 : i32
    %add3A_20 = arith.addi %mul3A_2, %add3A_19 : i32
    %mul3A_21 = arith.constant 80 : i32
    %mul3A_22 = arith.muli %add3A_20, %mul3A_21 : i32
    %dma_start3A_23 = arith.constant 0 : i32
    %dma_start3A_24 = tpu.memref_slice %arg2[%mul3A_22, %dma_start3A_23] : memref<320000x128xf32, #tpu.memory_space<hbm>> -> memref<80x128xf32, #tpu.memory_space<hbm>>
    %dma_start3A_25 = arith.constant 0 : i32
    %dma_start3A_26 = tpu.memref_slice %arg2[%mul3A_22, %dma_start3A_25] : memref<320000x128xf32, #tpu.memory_space<hbm>> -> memref<80x128xf32, #tpu.memory_space<hbm>>
    tpu.enqueue_dma source(%dma_start3A_26 : memref<80x128xf32, #tpu.memory_space<hbm>>) target(%arg10 : memref<80x128xf32, #tpu.memory_space<vmem>>) target_semaphore(%arg15 : memref<!tpu.dma_semaphore, #tpu.memory_space<semaphore_mem>>)
    %broadcast_in_dim3A = arith.constant 0.000000e+00 : f32
    %broadcast_in_dim3A_27 = vector.broadcast %broadcast_in_dim3A : f32 to vector<16xf32>
    %scan3A = arith.constant 0 : i32
    %scan3A_28 = arith.constant 640 : i32
    %scan3A_29 = arith.addi %scan3A, %scan3A_28 : i32
    %scan3A_30 = arith.constant 1 : i32
    scf.for %scan3A_244 = %scan3A to %scan3A_29 step %scan3A_30  : i32 {
      %mul3A_245 = arith.constant 1 : i32
      %mul3A_246 = arith.muli %scan3A_244, %mul3A_245 : i32
      %add3A_247 = arith.constant 0 : i32
      %add3A_248 = arith.addi %add3A_247, %mul3A_246 : i32
      %jit3A = arith.constant 8 : i32
      %div3A = arith.divsi %add3A_248, %jit3A : i32
      %sign3A = arith.constant 0 : i32
      %sign3A_249 = arith.cmpi sgt, %add3A_248, %sign3A : i32
      %sign3A_250 = arith.extui %sign3A_249 : i1 to i32
      %sign3A_251 = arith.constant 0 : i32
      %sign3A_252 = arith.cmpi slt, %add3A_248, %sign3A_251 : i32
      %sign3A_253 = arith.extui %sign3A_252 : i1 to i32
      %sign3A_254 = arith.subi %sign3A_250, %sign3A_253 : i32
      %sign3A_255 = arith.constant 0 : i32
      %sign3A_256 = arith.cmpi sgt, %jit3A, %sign3A_255 : i32
      %sign3A_257 = arith.extui %sign3A_256 : i1 to i32
      %sign3A_258 = arith.constant 0 : i32
      %sign3A_259 = arith.cmpi slt, %jit3A, %sign3A_258 : i32
      %sign3A_260 = arith.extui %sign3A_259 : i1 to i32
      %sign3A_261 = arith.subi %sign3A_257, %sign3A_260 : i32
      %ne3A = arith.cmpi ne, %sign3A_254, %sign3A_261 : i32
      %rem3A = arith.remsi %add3A_248, %jit3A : i32
      %ne3A_262 = arith.constant 0 : i32
      %ne3A_263 = arith.cmpi ne, %rem3A, %ne3A_262 : i32
      %and3A = arith.andi %ne3A, %ne3A_263 : i1
      %sub3A = arith.constant 1 : i32
      %sub3A_264 = arith.subi %div3A, %sub3A : i32
      %select_n3A = arith.select %and3A, %sub3A_264, %div3A : i32
      %jit3A_265 = arith.constant 8 : i32
      %eq3A = arith.constant 0 : i32
      %eq3A_266 = arith.cmpi eq, %jit3A_265, %eq3A : i32
      %jit3A_267 = arith.constant 1 : i32
      %select_n3A_268 = arith.select %eq3A_266, %jit3A_267, %jit3A_265 : i32
      %rem3A_269 = arith.remsi %add3A_248, %select_n3A_268 : i32
      %ne3A_270 = arith.constant 0 : i32
      %ne3A_271 = arith.cmpi ne, %rem3A_269, %ne3A_270 : i32
      %lt3A_272 = arith.constant 0 : i32
      %lt3A_273 = arith.cmpi slt, %rem3A_269, %lt3A_272 : i32
      %lt3A_274 = arith.constant 0 : i32
      %lt3A_275 = arith.cmpi slt, %select_n3A_268, %lt3A_274 : i32
      %ne3A_276 = arith.xori %lt3A_273, %lt3A_275 : i1
      %and3A_277 = arith.andi %ne3A_276, %ne3A_271 : i1
      %add3A_278 = arith.addi %rem3A_269, %select_n3A_268 : i32
      %select_n3A_279 = arith.select %and3A_277, %add3A_278, %rem3A_269 : i32
      %mul3A_280 = arith.constant 16 : i32
      %mul3A_281 = arith.muli %select_n3A_279, %mul3A_280 : i32
      %swap3A = arith.index_cast %select_n3A : i32 to index
      %swap3A_282 = arith.index_cast %mul3A_281 : i32 to index
      %swap3A_283 = tpu.vector_load %arg11[%swap3A, %swap3A_282] {strides = array<i32>} : memref<80x128xf32, #tpu.memory_space<vmem>>, vector<1x16xf32>,
      %swap3A_284 = vector.shape_cast %swap3A_283 : vector<1x16xf32> to vector<16xf32>
      %swap3A_285 = vector.shape_cast %broadcast_in_dim3A_27 : vector<16xf32> to vector<1x16xf32>
      tpu.vector_store %arg11[%swap3A, %swap3A_282], %swap3A_285 {strides = array<i32>} : memref<80x128xf32, #tpu.memory_space<vmem>>, vector<1x16xf32>,
    }
    %scan3A_31 = arith.constant 640 : i32
    %scan3A_32 = arith.constant 0 : i32
    %scan3A_33 = arith.constant 5 : i32
    %scan3A_34 = arith.addi %scan3A_32, %scan3A_33 : i32
    %scan3A_35 = arith.constant 1 : i32
    scf.for %scan3A_244 = %scan3A_32 to %scan3A_34 step %scan3A_35  : i32 {
      %mul3A_245 = arith.constant 1 : i32
      %mul3A_246 = arith.muli %scan3A_244, %mul3A_245 : i32
      %add3A_247 = arith.constant 0 : i32
      %add3A_248 = arith.addi %add3A_247, %mul3A_246 : i32
      %broadcast_in_dim3A_249 = arith.constant 1.000000e+00 : f32
      %broadcast_in_dim3A_250 = vector.broadcast %broadcast_in_dim3A_249 : f32 to vector<16xf32>
      %mul3A_251 = arith.constant 16 : i32
      %mul3A_252 = arith.muli %add3A_248, %mul3A_251 : i32
      %swap3A = arith.index_cast %mul3A_252 : i32 to index
      %swap3A_253 = tpu.vector_load %arg13[%swap3A] {strides = array<i32>} : memref<80xf32, #tpu.memory_space<vmem>>, vector<16xf32>,
      %swap3A_254 = vector.shape_cast %swap3A_253 : vector<16xf32> to vector<16xf32>
      %swap3A_255 = vector.shape_cast %broadcast_in_dim3A_250 : vector<16xf32> to vector<16xf32>
      tpu.vector_store %arg13[%swap3A], %swap3A_255 {strides = array<i32>} : memref<80xf32, #tpu.memory_space<vmem>>, vector<16xf32>,
    }
    %scan3A_36 = arith.constant 5 : i32
    %add3A_37 = arith.constant 0 : i32
    %add3A_38 = arith.addi %arg1, %add3A_37 : i32
    %lt3A = arith.constant 125 : i32
    %lt3A_39 = arith.cmpi slt, %add3A_38, %lt3A : i32
    %convert_element_type3A = arith.extui %lt3A_39 : i1 to i32
    %cond3A = arith.constant 0 : i32
    %cond3A_40 = arith.cmpi ne, %convert_element_type3A, %cond3A : i32
    scf.if %cond3A_40 {
      %mul3A_244 = arith.constant 80 : i32
      %mul3A_245 = arith.muli %add3A_38, %mul3A_244 : i32
      "tpu.region"() ({
        %run_scoped3A = tpu.sem_alloc : memref<!tpu.dma_semaphore, #tpu.memory_space<semaphore_mem>>
        %dma_start3A_246 = arith.constant 0 : i32
        %dma_start3A_247 = tpu.memref_slice %arg6[%mul3A_245, %dma_start3A_246] : memref<10000x128xf32, #tpu.memory_space<vmem_shared>> -> memref<80x128xf32, #tpu.memory_space<vmem_shared>>
        %dma_start3A_248 = arith.constant 0 : i32
        %dma_start3A_249 = tpu.memref_slice %arg6[%mul3A_245, %dma_start3A_248] : memref<10000x128xf32, #tpu.memory_space<vmem_shared>> -> memref<80x128xf32, #tpu.memory_space<vmem_shared>>
        tpu.enqueue_dma source(%arg11 : memref<80x128xf32, #tpu.memory_space<vmem>>) target(%dma_start3A_249 : memref<80x128xf32, #tpu.memory_space<vmem_shared>>) target_semaphore(%run_scoped3A : memref<!tpu.dma_semaphore, #tpu.memory_space<semaphore_mem>>)
        %dma_wait3A_250 = arith.constant 0 : i32
        %dma_wait3A_251 = tpu.memref_slice %arg6[%mul3A_245, %dma_wait3A_250] : memref<10000x128xf32, #tpu.memory_space<vmem_shared>> -> memref<80x128xf32, #tpu.memory_space<vmem_shared>>
        %dma_wait3A_252 = arith.constant 0 : i32
        %dma_wait3A_253 = tpu.memref_slice %arg6[%mul3A_245, %dma_wait3A_252] : memref<10000x128xf32, #tpu.memory_space<vmem_shared>> -> memref<80x128xf32, #tpu.memory_space<vmem_shared>>
        tpu.wait_dma2 semaphore(%run_scoped3A : memref<!tpu.dma_semaphore, #tpu.memory_space<semaphore_mem>>) src(%arg11 : memref<80x128xf32, #tpu.memory_space<vmem>>) dst(%dma_wait3A_253 : memref<80x128xf32, #tpu.memory_space<vmem_shared>>)
        tpu.yield
      }) : () -> ()
    } else {
    }
    %add3A_41 = arith.constant 16 : i32
    %add3A_42 = arith.addi %arg1, %add3A_41 : i32
    %lt3A_43 = arith.constant 125 : i32
    %lt3A_44 = arith.cmpi slt, %add3A_42, %lt3A_43 : i32
    %convert_element_type3A_45 = arith.extui %lt3A_44 : i1 to i32
    %cond3A_46 = arith.constant 0 : i32
    %cond3A_47 = arith.cmpi ne, %convert_element_type3A_45, %cond3A_46 : i32
    scf.if %cond3A_47 {
      %mul3A_244 = arith.constant 80 : i32
      %mul3A_245 = arith.muli %add3A_42, %mul3A_244 : i32
      "tpu.region"() ({
        %run_scoped3A = tpu.sem_alloc : memref<!tpu.dma_semaphore, #tpu.memory_space<semaphore_mem>>
        %dma_start3A_246 = arith.constant 0 : i32
        %dma_start3A_247 = tpu.memref_slice %arg6[%mul3A_245, %dma_start3A_246] : memref<10000x128xf32, #tpu.memory_space<vmem_shared>> -> memref<80x128xf32, #tpu.memory_space<vmem_shared>>
        %dma_start3A_248 = arith.constant 0 : i32
        %dma_start3A_249 = tpu.memref_slice %arg6[%mul3A_245, %dma_start3A_248] : memref<10000x128xf32, #tpu.memory_space<vmem_shared>> -> memref<80x128xf32, #tpu.memory_space<vmem_shared>>
        tpu.enqueue_dma source(%arg11 : memref<80x128xf32, #tpu.memory_space<vmem>>) target(%dma_start3A_249 : memref<80x128xf32, #tpu.memory_space<vmem_shared>>) target_semaphore(%run_scoped3A : memref<!tpu.dma_semaphore, #tpu.memory_space<semaphore_mem>>)
        %dma_wait3A_250 = arith.constant 0 : i32
        %dma_wait3A_251 = tpu.memref_slice %arg6[%mul3A_245, %dma_wait3A_250] : memref<10000x128xf32, #tpu.memory_space<vmem_shared>> -> memref<80x128xf32, #tpu.memory_space<vmem_shared>>
        %dma_wait3A_252 = arith.constant 0 : i32
        %dma_wait3A_253 = tpu.memref_slice %arg6[%mul3A_245, %dma_wait3A_252] : memref<10000x128xf32, #tpu.memory_space<vmem_shared>> -> memref<80x128xf32, #tpu.memory_space<vmem_shared>>
        tpu.wait_dma2 semaphore(%run_scoped3A : memref<!tpu.dma_semaphore, #tpu.memory_space<semaphore_mem>>) src(%arg11 : memref<80x128xf32, #tpu.memory_space<vmem>>) dst(%dma_wait3A_253 : memref<80x128xf32, #tpu.memory_space<vmem_shared>>)
        tpu.yield
      }) : () -> ()
    } else {
    }
    %add3A_48 = arith.constant 32 : i32
    %add3A_49 = arith.addi %arg1, %add3A_48 : i32
    %lt3A_50 = arith.constant 125 : i32
    %lt3A_51 = arith.cmpi slt, %add3A_49, %lt3A_50 : i32
    %convert_element_type3A_52 = arith.extui %lt3A_51 : i1 to i32
    %cond3A_53 = arith.constant 0 : i32
    %cond3A_54 = arith.cmpi ne, %convert_element_type3A_52, %cond3A_53 : i32
    scf.if %cond3A_54 {
      %mul3A_244 = arith.constant 80 : i32
      %mul3A_245 = arith.muli %add3A_49, %mul3A_244 : i32
      "tpu.region"() ({
        %run_scoped3A = tpu.sem_alloc : memref<!tpu.dma_semaphore, #tpu.memory_space<semaphore_mem>>
        %dma_start3A_246 = arith.constant 0 : i32
        %dma_start3A_247 = tpu.memref_slice %arg6[%mul3A_245, %dma_start3A_246] : memref<10000x128xf32, #tpu.memory_space<vmem_shared>> -> memref<80x128xf32, #tpu.memory_space<vmem_shared>>
        %dma_start3A_248 = arith.constant 0 : i32
        %dma_start3A_249 = tpu.memref_slice %arg6[%mul3A_245, %dma_start3A_248] : memref<10000x128xf32, #tpu.memory_space<vmem_shared>> -> memref<80x128xf32, #tpu.memory_space<vmem_shared>>
        tpu.enqueue_dma source(%arg11 : memref<80x128xf32, #tpu.memory_space<vmem>>) target(%dma_start3A_249 : memref<80x128xf32, #tpu.memory_space<vmem_shared>>) target_semaphore(%run_scoped3A : memref<!tpu.dma_semaphore, #tpu.memory_space<semaphore_mem>>)
        %dma_wait3A_250 = arith.constant 0 : i32
        %dma_wait3A_251 = tpu.memref_slice %arg6[%mul3A_245, %dma_wait3A_250] : memref<10000x128xf32, #tpu.memory_space<vmem_shared>> -> memref<80x128xf32, #tpu.memory_space<vmem_shared>>
        %dma_wait3A_252 = arith.constant 0 : i32
        %dma_wait3A_253 = tpu.memref_slice %arg6[%mul3A_245, %dma_wait3A_252] : memref<10000x128xf32, #tpu.memory_space<vmem_shared>> -> memref<80x128xf32, #tpu.memory_space<vmem_shared>>
        tpu.wait_dma2 semaphore(%run_scoped3A : memref<!tpu.dma_semaphore, #tpu.memory_space<semaphore_mem>>) src(%arg11 : memref<80x128xf32, #tpu.memory_space<vmem>>) dst(%dma_wait3A_253 : memref<80x128xf32, #tpu.memory_space<vmem_shared>>)
        tpu.yield
      }) : () -> ()
    } else {
    }
    %add3A_55 = arith.constant 48 : i32
    %add3A_56 = arith.addi %arg1, %add3A_55 : i32
    %lt3A_57 = arith.constant 125 : i32
    %lt3A_58 = arith.cmpi slt, %add3A_56, %lt3A_57 : i32
    %convert_element_type3A_59 = arith.extui %lt3A_58 : i1 to i32
    %cond3A_60 = arith.constant 0 : i32
    %cond3A_61 = arith.cmpi ne, %convert_element_type3A_59, %cond3A_60 : i32
    scf.if %cond3A_61 {
      %mul3A_244 = arith.constant 80 : i32
      %mul3A_245 = arith.muli %add3A_56, %mul3A_244 : i32
      "tpu.region"() ({
        %run_scoped3A = tpu.sem_alloc : memref<!tpu.dma_semaphore, #tpu.memory_space<semaphore_mem>>
        %dma_start3A_246 = arith.constant 0 : i32
        %dma_start3A_247 = tpu.memref_slice %arg6[%mul3A_245, %dma_start3A_246] : memref<10000x128xf32, #tpu.memory_space<vmem_shared>> -> memref<80x128xf32, #tpu.memory_space<vmem_shared>>
        %dma_start3A_248 = arith.constant 0 : i32
        %dma_start3A_249 = tpu.memref_slice %arg6[%mul3A_245, %dma_start3A_248] : memref<10000x128xf32, #tpu.memory_space<vmem_shared>> -> memref<80x128xf32, #tpu.memory_space<vmem_shared>>
        tpu.enqueue_dma source(%arg11 : memref<80x128xf32, #tpu.memory_space<vmem>>) target(%dma_start3A_249 : memref<80x128xf32, #tpu.memory_space<vmem_shared>>) target_semaphore(%run_scoped3A : memref<!tpu.dma_semaphore, #tpu.memory_space<semaphore_mem>>)
        %dma_wait3A_250 = arith.constant 0 : i32
        %dma_wait3A_251 = tpu.memref_slice %arg6[%mul3A_245, %dma_wait3A_250] : memref<10000x128xf32, #tpu.memory_space<vmem_shared>> -> memref<80x128xf32, #tpu.memory_space<vmem_shared>>
        %dma_wait3A_252 = arith.constant 0 : i32
        %dma_wait3A_253 = tpu.memref_slice %arg6[%mul3A_245, %dma_wait3A_252] : memref<10000x128xf32, #tpu.memory_space<vmem_shared>> -> memref<80x128xf32, #tpu.memory_space<vmem_shared>>
        tpu.wait_dma2 semaphore(%run_scoped3A : memref<!tpu.dma_semaphore, #tpu.memory_space<semaphore_mem>>) src(%arg11 : memref<80x128xf32, #tpu.memory_space<vmem>>) dst(%dma_wait3A_253 : memref<80x128xf32, #tpu.memory_space<vmem_shared>>)
        tpu.yield
      }) : () -> ()
    } else {
    }
    %add3A_62 = arith.constant 64 : i32
    %add3A_63 = arith.addi %arg1, %add3A_62 : i32
    %lt3A_64 = arith.constant 125 : i32
    %lt3A_65 = arith.cmpi slt, %add3A_63, %lt3A_64 : i32
    %convert_element_type3A_66 = arith.extui %lt3A_65 : i1 to i32
    %cond3A_67 = arith.constant 0 : i32
    %cond3A_68 = arith.cmpi ne, %convert_element_type3A_66, %cond3A_67 : i32
    scf.if %cond3A_68 {
      %mul3A_244 = arith.constant 80 : i32
      %mul3A_245 = arith.muli %add3A_63, %mul3A_244 : i32
      "tpu.region"() ({
        %run_scoped3A = tpu.sem_alloc : memref<!tpu.dma_semaphore, #tpu.memory_space<semaphore_mem>>
        %dma_start3A_246 = arith.constant 0 : i32
        %dma_start3A_247 = tpu.memref_slice %arg6[%mul3A_245, %dma_start3A_246] : memref<10000x128xf32, #tpu.memory_space<vmem_shared>> -> memref<80x128xf32, #tpu.memory_space<vmem_shared>>
        %dma_start3A_248 = arith.constant 0 : i32
        %dma_start3A_249 = tpu.memref_slice %arg6[%mul3A_245, %dma_start3A_248] : memref<10000x128xf32, #tpu.memory_space<vmem_shared>> -> memref<80x128xf32, #tpu.memory_space<vmem_shared>>
        tpu.enqueue_dma source(%arg11 : memref<80x128xf32, #tpu.memory_space<vmem>>) target(%dma_start3A_249 : memref<80x128xf32, #tpu.memory_space<vmem_shared>>) target_semaphore(%run_scoped3A : memref<!tpu.dma_semaphore, #tpu.memory_space<semaphore_mem>>)
        %dma_wait3A_250 = arith.constant 0 : i32
        %dma_wait3A_251 = tpu.memref_slice %arg6[%mul3A_245, %dma_wait3A_250] : memref<10000x128xf32, #tpu.memory_space<vmem_shared>> -> memref<80x128xf32, #tpu.memory_space<vmem_shared>>
        %dma_wait3A_252 = arith.constant 0 : i32
        %dma_wait3A_253 = tpu.memref_slice %arg6[%mul3A_245, %dma_wait3A_252] : memref<10000x128xf32, #tpu.memory_space<vmem_shared>> -> memref<80x128xf32, #tpu.memory_space<vmem_shared>>
        tpu.wait_dma2 semaphore(%run_scoped3A : memref<!tpu.dma_semaphore, #tpu.memory_space<semaphore_mem>>) src(%arg11 : memref<80x128xf32, #tpu.memory_space<vmem>>) dst(%dma_wait3A_253 : memref<80x128xf32, #tpu.memory_space<vmem_shared>>)
        tpu.yield
      }) : () -> ()
    } else {
    }
    %add3A_69 = arith.constant 80 : i32
    %add3A_70 = arith.addi %arg1, %add3A_69 : i32
    %lt3A_71 = arith.constant 125 : i32
    %lt3A_72 = arith.cmpi slt, %add3A_70, %lt3A_71 : i32
    %convert_element_type3A_73 = arith.extui %lt3A_72 : i1 to i32
    %cond3A_74 = arith.constant 0 : i32
    %cond3A_75 = arith.cmpi ne, %convert_element_type3A_73, %cond3A_74 : i32
    scf.if %cond3A_75 {
      %mul3A_244 = arith.constant 80 : i32
      %mul3A_245 = arith.muli %add3A_70, %mul3A_244 : i32
      "tpu.region"() ({
        %run_scoped3A = tpu.sem_alloc : memref<!tpu.dma_semaphore, #tpu.memory_space<semaphore_mem>>
        %dma_start3A_246 = arith.constant 0 : i32
        %dma_start3A_247 = tpu.memref_slice %arg6[%mul3A_245, %dma_start3A_246] : memref<10000x128xf32, #tpu.memory_space<vmem_shared>> -> memref<80x128xf32, #tpu.memory_space<vmem_shared>>
        %dma_start3A_248 = arith.constant 0 : i32
        %dma_start3A_249 = tpu.memref_slice %arg6[%mul3A_245, %dma_start3A_248] : memref<10000x128xf32, #tpu.memory_space<vmem_shared>> -> memref<80x128xf32, #tpu.memory_space<vmem_shared>>
        tpu.enqueue_dma source(%arg11 : memref<80x128xf32, #tpu.memory_space<vmem>>) target(%dma_start3A_249 : memref<80x128xf32, #tpu.memory_space<vmem_shared>>) target_semaphore(%run_scoped3A : memref<!tpu.dma_semaphore, #tpu.memory_space<semaphore_mem>>)
        %dma_wait3A_250 = arith.constant 0 : i32
        %dma_wait3A_251 = tpu.memref_slice %arg6[%mul3A_245, %dma_wait3A_250] : memref<10000x128xf32, #tpu.memory_space<vmem_shared>> -> memref<80x128xf32, #tpu.memory_space<vmem_shared>>
        %dma_wait3A_252 = arith.constant 0 : i32
        %dma_wait3A_253 = tpu.memref_slice %arg6[%mul3A_245, %dma_wait3A_252] : memref<10000x128xf32, #tpu.memory_space<vmem_shared>> -> memref<80x128xf32, #tpu.memory_space<vmem_shared>>
        tpu.wait_dma2 semaphore(%run_scoped3A : memref<!tpu.dma_semaphore, #tpu.memory_space<semaphore_mem>>) src(%arg11 : memref<80x128xf32, #tpu.memory_space<vmem>>) dst(%dma_wait3A_253 : memref<80x128xf32, #tpu.memory_space<vmem_shared>>)
        tpu.yield
      }) : () -> ()
    } else {
    }
    %add3A_76 = arith.constant 96 : i32
    %add3A_77 = arith.addi %arg1, %add3A_76 : i32
    %lt3A_78 = arith.constant 125 : i32
    %lt3A_79 = arith.cmpi slt, %add3A_77, %lt3A_78 : i32
    %convert_element_type3A_80 = arith.extui %lt3A_79 : i1 to i32
    %cond3A_81 = arith.constant 0 : i32
    %cond3A_82 = arith.cmpi ne, %convert_element_type3A_80, %cond3A_81 : i32
    scf.if %cond3A_82 {
      %mul3A_244 = arith.constant 80 : i32
      %mul3A_245 = arith.muli %add3A_77, %mul3A_244 : i32
      "tpu.region"() ({
        %run_scoped3A = tpu.sem_alloc : memref<!tpu.dma_semaphore, #tpu.memory_space<semaphore_mem>>
        %dma_start3A_246 = arith.constant 0 : i32
        %dma_start3A_247 = tpu.memref_slice %arg6[%mul3A_245, %dma_start3A_246] : memref<10000x128xf32, #tpu.memory_space<vmem_shared>> -> memref<80x128xf32, #tpu.memory_space<vmem_shared>>
        %dma_start3A_248 = arith.constant 0 : i32
        %dma_start3A_249 = tpu.memref_slice %arg6[%mul3A_245, %dma_start3A_248] : memref<10000x128xf32, #tpu.memory_space<vmem_shared>> -> memref<80x128xf32, #tpu.memory_space<vmem_shared>>
        tpu.enqueue_dma source(%arg11 : memref<80x128xf32, #tpu.memory_space<vmem>>) target(%dma_start3A_249 : memref<80x128xf32, #tpu.memory_space<vmem_shared>>) target_semaphore(%run_scoped3A : memref<!tpu.dma_semaphore, #tpu.memory_space<semaphore_mem>>)
        %dma_wait3A_250 = arith.constant 0 : i32
        %dma_wait3A_251 = tpu.memref_slice %arg6[%mul3A_245, %dma_wait3A_250] : memref<10000x128xf32, #tpu.memory_space<vmem_shared>> -> memref<80x128xf32, #tpu.memory_space<vmem_shared>>
        %dma_wait3A_252 = arith.constant 0 : i32
        %dma_wait3A_253 = tpu.memref_slice %arg6[%mul3A_245, %dma_wait3A_252] : memref<10000x128xf32, #tpu.memory_space<vmem_shared>> -> memref<80x128xf32, #tpu.memory_space<vmem_shared>>
        tpu.wait_dma2 semaphore(%run_scoped3A : memref<!tpu.dma_semaphore, #tpu.memory_space<semaphore_mem>>) src(%arg11 : memref<80x128xf32, #tpu.memory_space<vmem>>) dst(%dma_wait3A_253 : memref<80x128xf32, #tpu.memory_space<vmem_shared>>)
        tpu.yield
      }) : () -> ()
    } else {
    }
    %add3A_83 = arith.constant 112 : i32
    %add3A_84 = arith.addi %arg1, %add3A_83 : i32
    %lt3A_85 = arith.constant 125 : i32
    %lt3A_86 = arith.cmpi slt, %add3A_84, %lt3A_85 : i32
    %convert_element_type3A_87 = arith.extui %lt3A_86 : i1 to i32
    %cond3A_88 = arith.constant 0 : i32
    %cond3A_89 = arith.cmpi ne, %convert_element_type3A_87, %cond3A_88 : i32
    scf.if %cond3A_89 {
      %mul3A_244 = arith.constant 80 : i32
      %mul3A_245 = arith.muli %add3A_84, %mul3A_244 : i32
      "tpu.region"() ({
        %run_scoped3A = tpu.sem_alloc : memref<!tpu.dma_semaphore, #tpu.memory_space<semaphore_mem>>
        %dma_start3A_246 = arith.constant 0 : i32
        %dma_start3A_247 = tpu.memref_slice %arg6[%mul3A_245, %dma_start3A_246] : memref<10000x128xf32, #tpu.memory_space<vmem_shared>> -> memref<80x128xf32, #tpu.memory_space<vmem_shared>>
        %dma_start3A_248 = arith.constant 0 : i32
        %dma_start3A_249 = tpu.memref_slice %arg6[%mul3A_245, %dma_start3A_248] : memref<10000x128xf32, #tpu.memory_space<vmem_shared>> -> memref<80x128xf32, #tpu.memory_space<vmem_shared>>
        tpu.enqueue_dma source(%arg11 : memref<80x128xf32, #tpu.memory_space<vmem>>) target(%dma_start3A_249 : memref<80x128xf32, #tpu.memory_space<vmem_shared>>) target_semaphore(%run_scoped3A : memref<!tpu.dma_semaphore, #tpu.memory_space<semaphore_mem>>)
        %dma_wait3A_250 = arith.constant 0 : i32
        %dma_wait3A_251 = tpu.memref_slice %arg6[%mul3A_245, %dma_wait3A_250] : memref<10000x128xf32, #tpu.memory_space<vmem_shared>> -> memref<80x128xf32, #tpu.memory_space<vmem_shared>>
        %dma_wait3A_252 = arith.constant 0 : i32
        %dma_wait3A_253 = tpu.memref_slice %arg6[%mul3A_245, %dma_wait3A_252] : memref<10000x128xf32, #tpu.memory_space<vmem_shared>> -> memref<80x128xf32, #tpu.memory_space<vmem_shared>>
        tpu.wait_dma2 semaphore(%run_scoped3A : memref<!tpu.dma_semaphore, #tpu.memory_space<semaphore_mem>>) src(%arg11 : memref<80x128xf32, #tpu.memory_space<vmem>>) dst(%dma_wait3A_253 : memref<80x128xf32, #tpu.memory_space<vmem_shared>>)
        tpu.yield
      }) : () -> ()
    } else {
    }
    %lt3A_90 = arith.constant 5 : i32
    %lt3A_91 = arith.cmpi slt, %arg1, %lt3A_90 : i32
    %convert_element_type3A_92 = arith.extui %lt3A_91 : i1 to i32
    %cond3A_93 = arith.constant 0 : i32
    %cond3A_94 = arith.cmpi ne, %convert_element_type3A_92, %cond3A_93 : i32
    scf.if %cond3A_94 {
      %scan3A_244 = arith.constant 0 : i32
      %scan3A_245 = arith.constant 128 : i32
      %scan3A_246 = arith.addi %scan3A_244, %scan3A_245 : i32
      %scan3A_247 = arith.constant 1 : i32
      scf.for %scan3A_251 = %scan3A_244 to %scan3A_246 step %scan3A_247  : i32 {
        %mul3A_252 = arith.constant 1 : i32
        %mul3A_253 = arith.muli %scan3A_251, %mul3A_252 : i32
        %add3A_254 = arith.constant 0 : i32
        %add3A_255 = arith.addi %add3A_254, %mul3A_253 : i32
        %mul3A_256 = arith.constant 16 : i32
        %mul3A_257 = arith.muli %add3A_255, %mul3A_256 : i32
        %swap3A = arith.index_cast %mul3A_257 : i32 to index
        %swap3A_258 = tpu.vector_load %arg12[%swap3A] {strides = array<i32>} : memref<2048xf32, #tpu.memory_space<vmem>>, vector<16xf32>,
        %swap3A_259 = vector.shape_cast %swap3A_258 : vector<16xf32> to vector<16xf32>
        %swap3A_260 = vector.shape_cast %broadcast_in_dim3A_27 : vector<16xf32> to vector<16xf32>
        tpu.vector_store %arg12[%swap3A], %swap3A_260 {strides = array<i32>} : memref<2048xf32, #tpu.memory_space<vmem>>, vector<16xf32>,
      }
      %scan3A_248 = arith.constant 128 : i32
      %mul3A_249 = arith.constant 2048 : i32
      %mul3A_250 = arith.muli %arg1, %mul3A_249 : i32
      "tpu.region"() ({
        %run_scoped3A = tpu.sem_alloc : memref<!tpu.dma_semaphore, #tpu.memory_space<semaphore_mem>>
        %dma_start3A_251 = tpu.memref_slice %arg7[%mul3A_250] : memref<10240xf32, #tpu.memory_space<vmem_shared>> -> memref<2048xf32, #tpu.memory_space<vmem_shared>>
        %dma_start3A_252 = tpu.memref_slice %arg7[%mul3A_250] : memref<10240xf32, #tpu.memory_space<vmem_shared>> -> memref<2048xf32, #tpu.memory_space<vmem_shared>>
        tpu.enqueue_dma source(%arg12 : memref<2048xf32, #tpu.memory_space<vmem>>) target(%dma_start3A_252 : memref<2048xf32, #tpu.memory_space<vmem_shared>>) target_semaphore(%run_scoped3A : memref<!tpu.dma_semaphore, #tpu.memory_space<semaphore_mem>>)
        %dma_wait3A_253 = tpu.memref_slice %arg7[%mul3A_250] : memref<10240xf32, #tpu.memory_space<vmem_shared>> -> memref<2048xf32, #tpu.memory_space<vmem_shared>>
        %dma_wait3A_254 = tpu.memref_slice %arg7[%mul3A_250] : memref<10240xf32, #tpu.memory_space<vmem_shared>> -> memref<2048xf32, #tpu.memory_space<vmem_shared>>
        tpu.wait_dma2 semaphore(%run_scoped3A : memref<!tpu.dma_semaphore, #tpu.memory_space<semaphore_mem>>) src(%arg12 : memref<2048xf32, #tpu.memory_space<vmem>>) dst(%dma_wait3A_254 : memref<2048xf32, #tpu.memory_space<vmem_shared>>)
        tpu.yield
      }) : () -> ()
    } else {
    }
    %barrier3A = arith.constant 0 : index
    tpu.barrier barrier_id(%barrier3A)
    %dma_wait3A = arith.constant 1 : i32
    %dma_wait3A_95 = arith.constant 0 : i32
    %dma_wait3A_96 = arith.constant 0 : i32
    %dma_wait3A_97 = tpu.memref_slice %arg3[%dma_wait3A, %add3A, %dma_wait3A_95, %dma_wait3A_96] : memref<2x32x125x80xi32, #tpu.memory_space<hbm>> -> memref<1x1x125x80xi32, #tpu.memory_space<hbm>>
    %dma_wait3A_98 = tpu.memref_squeeze %dma_wait3A_97 : memref<1x1x125x80xi32, #tpu.memory_space<hbm>> -> memref<125x80xi32, #tpu.memory_space<hbm>>
    %dma_wait3A_99 = arith.constant 0 : i32
    %dma_wait3A_100 = arith.constant 0 : i32
    %dma_wait3A_101 = tpu.memref_slice %arg3[%dma_wait3A, %add3A, %dma_wait3A_99, %dma_wait3A_100] : memref<2x32x125x80xi32, #tpu.memory_space<hbm>> -> memref<1x1x125x80xi32, #tpu.memory_space<hbm>>
    %dma_wait3A_102 = tpu.memref_squeeze %dma_wait3A_101 : memref<1x1x125x80xi32, #tpu.memory_space<hbm>> -> memref<125x80xi32, #tpu.memory_space<hbm>>
    tpu.wait_dma2 semaphore(%arg23 : memref<!tpu.dma_semaphore, #tpu.memory_space<semaphore_mem>>) src(%dma_wait3A_102 : memref<125x80xi32, #tpu.memory_space<hbm>>) dst(%arg8 : memref<125x80xi32, #tpu.memory_space<vmem>>)
    %scan3A_103 = arith.constant 0 : i32
    %scan3A_104 = arith.constant 42 : i32
    %scan3A_105 = arith.addi %scan3A_103, %scan3A_104 : i32
    %scan3A_106 = arith.constant 1 : i32
    scf.for %scan3A_244 = %scan3A_103 to %scan3A_105 step %scan3A_106  : i32 {
      %mul3A_245 = arith.constant 3 : i32
      %mul3A_246 = arith.muli %scan3A_244, %mul3A_245 : i32
      %add3A_247 = arith.constant 0 : i32
      %add3A_248 = arith.addi %add3A_247, %mul3A_246 : i32
      %add3A_249 = arith.constant 0 : i32
      %add3A_250 = arith.addi %add3A_248, %add3A_249 : i32
      %lt3A_251 = arith.constant 125 : i32
      %lt3A_252 = arith.cmpi slt, %add3A_250, %lt3A_251 : i32
      %convert_element_type3A_253 = arith.extui %lt3A_252 : i1 to i32
      %cond3A_254 = arith.constant 0 : i32
      %cond3A_255 = arith.cmpi ne, %convert_element_type3A_253, %cond3A_254 : i32
      scf.if %cond3A_255 {
        %add3A_270 = arith.addi %mul3A_2, %add3A_250 : i32
        %mul3A_271 = arith.constant 80 : i32
        %mul3A_272 = arith.muli %add3A_270, %mul3A_271 : i32
        %dma_wait3A_273 = arith.constant 0 : i32
        %dma_wait3A_274 = tpu.memref_slice %arg2[%mul3A_272, %dma_wait3A_273] : memref<320000x128xf32, #tpu.memory_space<hbm>> -> memref<80x128xf32, #tpu.memory_space<hbm>>
        %dma_wait3A_275 = arith.constant 0 : i32
        %dma_wait3A_276 = tpu.memref_slice %arg2[%mul3A_272, %dma_wait3A_275] : memref<320000x128xf32, #tpu.memory_space<hbm>> -> memref<80x128xf32, #tpu.memory_space<hbm>>
        tpu.wait_dma2 semaphore(%arg14 : memref<!tpu.dma_semaphore, #tpu.memory_space<semaphore_mem>>) src(%dma_wait3A_276 : memref<80x128xf32, #tpu.memory_space<hbm>>) dst(%arg9 : memref<80x128xf32, #tpu.memory_space<vmem>>)
        %dma_start3A_277 = arith.constant 0 : i32
        %dma_start3A_278 = tpu.memref_slice %arg8[%add3A_250, %dma_start3A_277] : memref<125x80xi32, #tpu.memory_space<vmem>> -> memref<1x80xi32, #tpu.memory_space<vmem>>
        %dma_start3A_279 = tpu.memref_squeeze %dma_start3A_278 : memref<1x80xi32, #tpu.memory_space<vmem>> -> memref<80xi32, #tpu.memory_space<vmem>>
        %dma_start3A_280 = arith.constant 0 : i32
        %dma_start3A_281 = arith.constant 0 : i32
        %dma_start3A_282 = tpu.memref_slice %arg6[%dma_start3A_280, %dma_start3A_281] : memref<10000x128xf32, #tpu.memory_space<vmem_shared>> -> memref<10000x128xf32, #tpu.memory_space<vmem_shared>>
        tpu.enqueue_indirect_dma source(%arg9 : memref<80x128xf32, #tpu.memory_space<vmem>>) target(%dma_start3A_282 : memref<10000x128xf32, #tpu.memory_space<vmem_shared>>) offsets(%dma_start3A_279 : memref<80xi32, #tpu.memory_space<vmem>>) semaphore(%arg17 : memref<!tpu.dma_semaphore, #tpu.memory_space<semaphore_mem>>) {add = true}
        %dma_start3A_283 = arith.constant 0 : i32
        %dma_start3A_284 = tpu.memref_slice %arg8[%add3A_250, %dma_start3A_283] : memref<125x80xi32, #tpu.memory_space<vmem>> -> memref<1x80xi32, #tpu.memory_space<vmem>>
        %dma_start3A_285 = tpu.memref_squeeze %dma_start3A_284 : memref<1x80xi32, #tpu.memory_space<vmem>> -> memref<80xi32, #tpu.memory_space<vmem>>
        %dma_start3A_286 = arith.constant 0 : i32
        %dma_start3A_287 = tpu.memref_slice %arg7[%dma_start3A_286] : memref<10240xf32, #tpu.memory_space<vmem_shared>> -> memref<10240xf32, #tpu.memory_space<vmem_shared>>
        tpu.enqueue_indirect_dma source(%arg13 : memref<80xf32, #tpu.memory_space<vmem>>) target(%dma_start3A_287 : memref<10240xf32, #tpu.memory_space<vmem_shared>>) offsets(%dma_start3A_285 : memref<80xi32, #tpu.memory_space<vmem>>) semaphore(%arg20 : memref<!tpu.dma_semaphore, #tpu.memory_space<semaphore_mem>>) {add = true}
        %ge3A = arith.constant 1 : i32
        %ge3A_288 = arith.cmpi sge, %add3A_250, %ge3A : i32
        %convert_element_type3A_289 = arith.extui %ge3A_288 : i1 to i32
        %cond3A_290 = arith.constant 0 : i32
        %cond3A_291 = arith.cmpi ne, %convert_element_type3A_289, %cond3A_290 : i32
        scf.if %cond3A_291 {
          %sub3A = arith.constant 1 : i32
          %sub3A_299 = arith.subi %add3A_250, %sub3A : i32
          %dma_wait3A_300 = arith.constant 0 : i32
          %dma_wait3A_301 = tpu.memref_slice %arg8[%sub3A_299, %dma_wait3A_300] : memref<125x80xi32, #tpu.memory_space<vmem>> -> memref<1x80xi32, #tpu.memory_space<vmem>>
          %dma_wait3A_302 = tpu.memref_squeeze %dma_wait3A_301 : memref<1x80xi32, #tpu.memory_space<vmem>> -> memref<80xi32, #tpu.memory_space<vmem>>
          %dma_wait3A_303 = arith.constant 0 : i32
          %dma_wait3A_304 = arith.constant 0 : i32
          %dma_wait3A_305 = tpu.memref_slice %arg6[%dma_wait3A_303, %dma_wait3A_304] : memref<10000x128xf32, #tpu.memory_space<vmem_shared>> -> memref<10000x128xf32, #tpu.memory_space<vmem_shared>>
          tpu.wait_indirect_dma semaphore(%arg19 : memref<!tpu.dma_semaphore, #tpu.memory_space<semaphore_mem>>) src(%arg11 : memref<80x128xf32, #tpu.memory_space<vmem>>) dst(%dma_wait3A_305 : memref<10000x128xf32, #tpu.memory_space<vmem_shared>>)
          %dma_wait3A_306 = arith.constant 0 : i32
          %dma_wait3A_307 = tpu.memref_slice %arg8[%sub3A_299, %dma_wait3A_306] : memref<125x80xi32, #tpu.memory_space<vmem>> -> memref<1x80xi32, #tpu.memory_space<vmem>>
          %dma_wait3A_308 = tpu.memref_squeeze %dma_wait3A_307 : memref<1x80xi32, #tpu.memory_space<vmem>> -> memref<80xi32, #tpu.memory_space<vmem>>
          %dma_wait3A_309 = arith.constant 0 : i32
          %dma_wait3A_310 = tpu.memref_slice %arg7[%dma_wait3A_309] : memref<10240xf32, #tpu.memory_space<vmem_shared>> -> memref<10240xf32, #tpu.memory_space<vmem_shared>>
          tpu.wait_indirect_dma semaphore(%arg22 : memref<!tpu.dma_semaphore, #tpu.memory_space<semaphore_mem>>) src(%arg13 : memref<80xf32, #tpu.memory_space<vmem>>) dst(%dma_wait3A_310 : memref<10240xf32, #tpu.memory_space<vmem_shared>>)
        } else {
        }
        %add3A_292 = arith.constant 2 : i32
        %add3A_293 = arith.addi %add3A_250, %add3A_292 : i32
        %lt3A_294 = arith.constant 125 : i32
        %lt3A_295 = arith.cmpi slt, %add3A_293, %lt3A_294 : i32
        %convert_element_type3A_296 = arith.extui %lt3A_295 : i1 to i32
        %cond3A_297 = arith.constant 0 : i32
        %cond3A_298 = arith.cmpi ne, %convert_element_type3A_296, %cond3A_297 : i32
        scf.if %cond3A_298 {
          %add3A_299 = arith.constant 2 : i32
          %add3A_300 = arith.addi %add3A_250, %add3A_299 : i32
          %add3A_301 = arith.addi %mul3A_2, %add3A_300 : i32
          %mul3A_302 = arith.constant 80 : i32
          %mul3A_303 = arith.muli %add3A_301, %mul3A_302 : i32
          %dma_start3A_304 = arith.constant 0 : i32
          %dma_start3A_305 = tpu.memref_slice %arg2[%mul3A_303, %dma_start3A_304] : memref<320000x128xf32, #tpu.memory_space<hbm>> -> memref<80x128xf32, #tpu.memory_space<hbm>>
          %dma_start3A_306 = arith.constant 0 : i32
          %dma_start3A_307 = tpu.memref_slice %arg2[%mul3A_303, %dma_start3A_306] : memref<320000x128xf32, #tpu.memory_space<hbm>> -> memref<80x128xf32, #tpu.memory_space<hbm>>
          tpu.enqueue_dma source(%dma_start3A_307 : memref<80x128xf32, #tpu.memory_space<hbm>>) target(%arg11 : memref<80x128xf32, #tpu.memory_space<vmem>>) target_semaphore(%arg16 : memref<!tpu.dma_semaphore, #tpu.memory_space<semaphore_mem>>)
        } else {
        }
      } else {
      }
      %add3A_256 = arith.constant 1 : i32
      %add3A_257 = arith.addi %add3A_248, %add3A_256 : i32
      %lt3A_258 = arith.constant 125 : i32
      %lt3A_259 = arith.cmpi slt, %add3A_257, %lt3A_258 : i32
      %convert_element_type3A_260 = arith.extui %lt3A_259 : i1 to i32
      %cond3A_261 = arith.constant 0 : i32
      %cond3A_262 = arith.cmpi ne, %convert_element_type3A_260, %cond3A_261 : i32
      scf.if %cond3A_262 {
        %add3A_270 = arith.addi %mul3A_2, %add3A_257 : i32
        %mul3A_271 = arith.constant 80 : i32
        %mul3A_272 = arith.muli %add3A_270, %mul3A_271 : i32
        %dma_wait3A_273 = arith.constant 0 : i32
        %dma_wait3A_274 = tpu.memref_slice %arg2[%mul3A_272, %dma_wait3A_273] : memref<320000x128xf32, #tpu.memory_space<hbm>> -> memref<80x128xf32, #tpu.memory_space<hbm>>
        %dma_wait3A_275 = arith.constant 0 : i32
        %dma_wait3A_276 = tpu.memref_slice %arg2[%mul3A_272, %dma_wait3A_275] : memref<320000x128xf32, #tpu.memory_space<hbm>> -> memref<80x128xf32, #tpu.memory_space<hbm>>
        tpu.wait_dma2 semaphore(%arg15 : memref<!tpu.dma_semaphore, #tpu.memory_space<semaphore_mem>>) src(%dma_wait3A_276 : memref<80x128xf32, #tpu.memory_space<hbm>>) dst(%arg10 : memref<80x128xf32, #tpu.memory_space<vmem>>)
        %dma_start3A_277 = arith.constant 0 : i32
        %dma_start3A_278 = tpu.memref_slice %arg8[%add3A_257, %dma_start3A_277] : memref<125x80xi32, #tpu.memory_space<vmem>> -> memref<1x80xi32, #tpu.memory_space<vmem>>
        %dma_start3A_279 = tpu.memref_squeeze %dma_start3A_278 : memref<1x80xi32, #tpu.memory_space<vmem>> -> memref<80xi32, #tpu.memory_space<vmem>>
        %dma_start3A_280 = arith.constant 0 : i32
        %dma_start3A_281 = arith.constant 0 : i32
        %dma_start3A_282 = tpu.memref_slice %arg6[%dma_start3A_280, %dma_start3A_281] : memref<10000x128xf32, #tpu.memory_space<vmem_shared>> -> memref<10000x128xf32, #tpu.memory_space<vmem_shared>>
        tpu.enqueue_indirect_dma source(%arg10 : memref<80x128xf32, #tpu.memory_space<vmem>>) target(%dma_start3A_282 : memref<10000x128xf32, #tpu.memory_space<vmem_shared>>) offsets(%dma_start3A_279 : memref<80xi32, #tpu.memory_space<vmem>>) semaphore(%arg18 : memref<!tpu.dma_semaphore, #tpu.memory_space<semaphore_mem>>) {add = true}
        %dma_start3A_283 = arith.constant 0 : i32
        %dma_start3A_284 = tpu.memref_slice %arg8[%add3A_257, %dma_start3A_283] : memref<125x80xi32, #tpu.memory_space<vmem>> -> memref<1x80xi32, #tpu.memory_space<vmem>>
        %dma_start3A_285 = tpu.memref_squeeze %dma_start3A_284 : memref<1x80xi32, #tpu.memory_space<vmem>> -> memref<80xi32, #tpu.memory_space<vmem>>
        %dma_start3A_286 = arith.constant 0 : i32
        %dma_start3A_287 = tpu.memref_slice %arg7[%dma_start3A_286] : memref<10240xf32, #tpu.memory_space<vmem_shared>> -> memref<10240xf32, #tpu.memory_space<vmem_shared>>
        tpu.enqueue_indirect_dma source(%arg13 : memref<80xf32, #tpu.memory_space<vmem>>) target(%dma_start3A_287 : memref<10240xf32, #tpu.memory_space<vmem_shared>>) offsets(%dma_start3A_285 : memref<80xi32, #tpu.memory_space<vmem>>) semaphore(%arg21 : memref<!tpu.dma_semaphore, #tpu.memory_space<semaphore_mem>>) {add = true}
        %ge3A = arith.constant 1 : i32
        %ge3A_288 = arith.cmpi sge, %add3A_257, %ge3A : i32
        %convert_element_type3A_289 = arith.extui %ge3A_288 : i1 to i32
        %cond3A_290 = arith.constant 0 : i32
        %cond3A_291 = arith.cmpi ne, %convert_element_type3A_289, %cond3A_290 : i32
        scf.if %cond3A_291 {
          %sub3A = arith.constant 1 : i32
          %sub3A_299 = arith.subi %add3A_257, %sub3A : i32
          %dma_wait3A_300 = arith.constant 0 : i32
          %dma_wait3A_301 = tpu.memref_slice %arg8[%sub3A_299, %dma_wait3A_300] : memref<125x80xi32, #tpu.memory_space<vmem>> -> memref<1x80xi32, #tpu.memory_space<vmem>>
          %dma_wait3A_302 = tpu.memref_squeeze %dma_wait3A_301 : memref<1x80xi32, #tpu.memory_space<vmem>> -> memref<80xi32, #tpu.memory_space<vmem>>
          %dma_wait3A_303 = arith.constant 0 : i32
          %dma_wait3A_304 = arith.constant 0 : i32
          %dma_wait3A_305 = tpu.memref_slice %arg6[%dma_wait3A_303, %dma_wait3A_304] : memref<10000x128xf32, #tpu.memory_space<vmem_shared>> -> memref<10000x128xf32, #tpu.memory_space<vmem_shared>>
          tpu.wait_indirect_dma semaphore(%arg17 : memref<!tpu.dma_semaphore, #tpu.memory_space<semaphore_mem>>) src(%arg9 : memref<80x128xf32, #tpu.memory_space<vmem>>) dst(%dma_wait3A_305 : memref<10000x128xf32, #tpu.memory_space<vmem_shared>>)
          %dma_wait3A_306 = arith.constant 0 : i32
          %dma_wait3A_307 = tpu.memref_slice %arg8[%sub3A_299, %dma_wait3A_306] : memref<125x80xi32, #tpu.memory_space<vmem>> -> memref<1x80xi32, #tpu.memory_space<vmem>>
          %dma_wait3A_308 = tpu.memref_squeeze %dma_wait3A_307 : memref<1x80xi32, #tpu.memory_space<vmem>> -> memref<80xi32, #tpu.memory_space<vmem>>
          %dma_wait3A_309 = arith.constant 0 : i32
          %dma_wait3A_310 = tpu.memref_slice %arg7[%dma_wait3A_309] : memref<10240xf32, #tpu.memory_space<vmem_shared>> -> memref<10240xf32, #tpu.memory_space<vmem_shared>>
          tpu.wait_indirect_dma semaphore(%arg20 : memref<!tpu.dma_semaphore, #tpu.memory_space<semaphore_mem>>) src(%arg13 : memref<80xf32, #tpu.memory_space<vmem>>) dst(%dma_wait3A_310 : memref<10240xf32, #tpu.memory_space<vmem_shared>>)
        } else {
        }
        %add3A_292 = arith.constant 2 : i32
        %add3A_293 = arith.addi %add3A_257, %add3A_292 : i32
        %lt3A_294 = arith.constant 125 : i32
        %lt3A_295 = arith.cmpi slt, %add3A_293, %lt3A_294 : i32
        %convert_element_type3A_296 = arith.extui %lt3A_295 : i1 to i32
        %cond3A_297 = arith.constant 0 : i32
        %cond3A_298 = arith.cmpi ne, %convert_element_type3A_296, %cond3A_297 : i32
        scf.if %cond3A_298 {
          %add3A_299 = arith.constant 2 : i32
          %add3A_300 = arith.addi %add3A_257, %add3A_299 : i32
          %add3A_301 = arith.addi %mul3A_2, %add3A_300 : i32
          %mul3A_302 = arith.constant 80 : i32
          %mul3A_303 = arith.muli %add3A_301, %mul3A_302 : i32
          %dma_start3A_304 = arith.constant 0 : i32
          %dma_start3A_305 = tpu.memref_slice %arg2[%mul3A_303, %dma_start3A_304] : memref<320000x128xf32, #tpu.memory_space<hbm>> -> memref<80x128xf32, #tpu.memory_space<hbm>>
          %dma_start3A_306 = arith.constant 0 : i32
          %dma_start3A_307 = tpu.memref_slice %arg2[%mul3A_303, %dma_start3A_306] : memref<320000x128xf32, #tpu.memory_space<hbm>> -> memref<80x128xf32, #tpu.memory_space<hbm>>
          tpu.enqueue_dma source(%dma_start3A_307 : memref<80x128xf32, #tpu.memory_space<hbm>>) target(%arg9 : memref<80x128xf32, #tpu.memory_space<vmem>>) target_semaphore(%arg14 : memref<!tpu.dma_semaphore, #tpu.memory_space<semaphore_mem>>)
        } else {
        }
      } else {
      }
      %add3A_263 = arith.constant 2 : i32
      %add3A_264 = arith.addi %add3A_248, %add3A_263 : i32
      %lt3A_265 = arith.constant 125 : i32
      %lt3A_266 = arith.cmpi slt, %add3A_264, %lt3A_265 : i32
      %convert_element_type3A_267 = arith.extui %lt3A_266 : i1 to i32
      %cond3A_268 = arith.constant 0 : i32
      %cond3A_269 = arith.cmpi ne, %convert_element_type3A_267, %cond3A_268 : i32
      scf.if %cond3A_269 {
        %add3A_270 = arith.addi %mul3A_2, %add3A_264 : i32
        %mul3A_271 = arith.constant 80 : i32
        %mul3A_272 = arith.muli %add3A_270, %mul3A_271 : i32
        %dma_wait3A_273 = arith.constant 0 : i32
        %dma_wait3A_274 = tpu.memref_slice %arg2[%mul3A_272, %dma_wait3A_273] : memref<320000x128xf32, #tpu.memory_space<hbm>> -> memref<80x128xf32, #tpu.memory_space<hbm>>
        %dma_wait3A_275 = arith.constant 0 : i32
        %dma_wait3A_276 = tpu.memref_slice %arg2[%mul3A_272, %dma_wait3A_275] : memref<320000x128xf32, #tpu.memory_space<hbm>> -> memref<80x128xf32, #tpu.memory_space<hbm>>
        tpu.wait_dma2 semaphore(%arg16 : memref<!tpu.dma_semaphore, #tpu.memory_space<semaphore_mem>>) src(%dma_wait3A_276 : memref<80x128xf32, #tpu.memory_space<hbm>>) dst(%arg11 : memref<80x128xf32, #tpu.memory_space<vmem>>)
        %dma_start3A_277 = arith.constant 0 : i32
        %dma_start3A_278 = tpu.memref_slice %arg8[%add3A_264, %dma_start3A_277] : memref<125x80xi32, #tpu.memory_space<vmem>> -> memref<1x80xi32, #tpu.memory_space<vmem>>
        %dma_start3A_279 = tpu.memref_squeeze %dma_start3A_278 : memref<1x80xi32, #tpu.memory_space<vmem>> -> memref<80xi32, #tpu.memory_space<vmem>>
        %dma_start3A_280 = arith.constant 0 : i32
        %dma_start3A_281 = arith.constant 0 : i32
        %dma_start3A_282 = tpu.memref_slice %arg6[%dma_start3A_280, %dma_start3A_281] : memref<10000x128xf32, #tpu.memory_space<vmem_shared>> -> memref<10000x128xf32, #tpu.memory_space<vmem_shared>>
        tpu.enqueue_indirect_dma source(%arg11 : memref<80x128xf32, #tpu.memory_space<vmem>>) target(%dma_start3A_282 : memref<10000x128xf32, #tpu.memory_space<vmem_shared>>) offsets(%dma_start3A_279 : memref<80xi32, #tpu.memory_space<vmem>>) semaphore(%arg19 : memref<!tpu.dma_semaphore, #tpu.memory_space<semaphore_mem>>) {add = true}
        %dma_start3A_283 = arith.constant 0 : i32
        %dma_start3A_284 = tpu.memref_slice %arg8[%add3A_264, %dma_start3A_283] : memref<125x80xi32, #tpu.memory_space<vmem>> -> memref<1x80xi32, #tpu.memory_space<vmem>>
        %dma_start3A_285 = tpu.memref_squeeze %dma_start3A_284 : memref<1x80xi32, #tpu.memory_space<vmem>> -> memref<80xi32, #tpu.memory_space<vmem>>
        %dma_start3A_286 = arith.constant 0 : i32
        %dma_start3A_287 = tpu.memref_slice %arg7[%dma_start3A_286] : memref<10240xf32, #tpu.memory_space<vmem_shared>> -> memref<10240xf32, #tpu.memory_space<vmem_shared>>
        tpu.enqueue_indirect_dma source(%arg13 : memref<80xf32, #tpu.memory_space<vmem>>) target(%dma_start3A_287 : memref<10240xf32, #tpu.memory_space<vmem_shared>>) offsets(%dma_start3A_285 : memref<80xi32, #tpu.memory_space<vmem>>) semaphore(%arg22 : memref<!tpu.dma_semaphore, #tpu.memory_space<semaphore_mem>>) {add = true}
        %ge3A = arith.constant 1 : i32
        %ge3A_288 = arith.cmpi sge, %add3A_264, %ge3A : i32
        %convert_element_type3A_289 = arith.extui %ge3A_288 : i1 to i32
        %cond3A_290 = arith.constant 0 : i32
        %cond3A_291 = arith.cmpi ne, %convert_element_type3A_289, %cond3A_290 : i32
        scf.if %cond3A_291 {
          %sub3A = arith.constant 1 : i32
          %sub3A_299 = arith.subi %add3A_264, %sub3A : i32
          %dma_wait3A_300 = arith.constant 0 : i32
          %dma_wait3A_301 = tpu.memref_slice %arg8[%sub3A_299, %dma_wait3A_300] : memref<125x80xi32, #tpu.memory_space<vmem>> -> memref<1x80xi32, #tpu.memory_space<vmem>>
          %dma_wait3A_302 = tpu.memref_squeeze %dma_wait3A_301 : memref<1x80xi32, #tpu.memory_space<vmem>> -> memref<80xi32, #tpu.memory_space<vmem>>
          %dma_wait3A_303 = arith.constant 0 : i32
          %dma_wait3A_304 = arith.constant 0 : i32
          %dma_wait3A_305 = tpu.memref_slice %arg6[%dma_wait3A_303, %dma_wait3A_304] : memref<10000x128xf32, #tpu.memory_space<vmem_shared>> -> memref<10000x128xf32, #tpu.memory_space<vmem_shared>>
          tpu.wait_indirect_dma semaphore(%arg18 : memref<!tpu.dma_semaphore, #tpu.memory_space<semaphore_mem>>) src(%arg10 : memref<80x128xf32, #tpu.memory_space<vmem>>) dst(%dma_wait3A_305 : memref<10000x128xf32, #tpu.memory_space<vmem_shared>>)
          %dma_wait3A_306 = arith.constant 0 : i32
          %dma_wait3A_307 = tpu.memref_slice %arg8[%sub3A_299, %dma_wait3A_306] : memref<125x80xi32, #tpu.memory_space<vmem>> -> memref<1x80xi32, #tpu.memory_space<vmem>>
          %dma_wait3A_308 = tpu.memref_squeeze %dma_wait3A_307 : memref<1x80xi32, #tpu.memory_space<vmem>> -> memref<80xi32, #tpu.memory_space<vmem>>
          %dma_wait3A_309 = arith.constant 0 : i32
          %dma_wait3A_310 = tpu.memref_slice %arg7[%dma_wait3A_309] : memref<10240xf32, #tpu.memory_space<vmem_shared>> -> memref<10240xf32, #tpu.memory_space<vmem_shared>>
          tpu.wait_indirect_dma semaphore(%arg21 : memref<!tpu.dma_semaphore, #tpu.memory_space<semaphore_mem>>) src(%arg13 : memref<80xf32, #tpu.memory_space<vmem>>) dst(%dma_wait3A_310 : memref<10240xf32, #tpu.memory_space<vmem_shared>>)
        } else {
        }
        %add3A_292 = arith.constant 2 : i32
        %add3A_293 = arith.addi %add3A_264, %add3A_292 : i32
        %lt3A_294 = arith.constant 125 : i32
        %lt3A_295 = arith.cmpi slt, %add3A_293, %lt3A_294 : i32
        %convert_element_type3A_296 = arith.extui %lt3A_295 : i1 to i32
        %cond3A_297 = arith.constant 0 : i32
        %cond3A_298 = arith.cmpi ne, %convert_element_type3A_296, %cond3A_297 : i32
        scf.if %cond3A_298 {
          %add3A_299 = arith.constant 2 : i32
          %add3A_300 = arith.addi %add3A_264, %add3A_299 : i32
          %add3A_301 = arith.addi %mul3A_2, %add3A_300 : i32
          %mul3A_302 = arith.constant 80 : i32
          %mul3A_303 = arith.muli %add3A_301, %mul3A_302 : i32
          %dma_start3A_304 = arith.constant 0 : i32
          %dma_start3A_305 = tpu.memref_slice %arg2[%mul3A_303, %dma_start3A_304] : memref<320000x128xf32, #tpu.memory_space<hbm>> -> memref<80x128xf32, #tpu.memory_space<hbm>>
          %dma_start3A_306 = arith.constant 0 : i32
          %dma_start3A_307 = tpu.memref_slice %arg2[%mul3A_303, %dma_start3A_306] : memref<320000x128xf32, #tpu.memory_space<hbm>> -> memref<80x128xf32, #tpu.memory_space<hbm>>
          tpu.enqueue_dma source(%dma_start3A_307 : memref<80x128xf32, #tpu.memory_space<hbm>>) target(%arg10 : memref<80x128xf32, #tpu.memory_space<vmem>>) target_semaphore(%arg15 : memref<!tpu.dma_semaphore, #tpu.memory_space<semaphore_mem>>)
        } else {
        }
      } else {
      }
    }
    %scan3A_107 = arith.constant 42 : i32
    %dma_wait3A_108 = arith.constant 124 : i32
    %dma_wait3A_109 = arith.constant 0 : i32
    %dma_wait3A_110 = tpu.memref_slice %arg8[%dma_wait3A_108, %dma_wait3A_109] : memref<125x80xi32, #tpu.memory_space<vmem>> -> memref<1x80xi32, #tpu.memory_space<vmem>>
    %dma_wait3A_111 = tpu.memref_squeeze %dma_wait3A_110 : memref<1x80xi32, #tpu.memory_space<vmem>> -> memref<80xi32, #tpu.memory_space<vmem>>
    %dma_wait3A_112 = arith.constant 0 : i32
    %dma_wait3A_113 = arith.constant 0 : i32
    %dma_wait3A_114 = tpu.memref_slice %arg6[%dma_wait3A_112, %dma_wait3A_113] : memref<10000x128xf32, #tpu.memory_space<vmem_shared>> -> memref<10000x128xf32, #tpu.memory_space<vmem_shared>>
    tpu.wait_indirect_dma semaphore(%arg18 : memref<!tpu.dma_semaphore, #tpu.memory_space<semaphore_mem>>) src(%arg10 : memref<80x128xf32, #tpu.memory_space<vmem>>) dst(%dma_wait3A_114 : memref<10000x128xf32, #tpu.memory_space<vmem_shared>>)
    %dma_wait3A_115 = arith.constant 124 : i32
    %dma_wait3A_116 = arith.constant 0 : i32
    %dma_wait3A_117 = tpu.memref_slice %arg8[%dma_wait3A_115, %dma_wait3A_116] : memref<125x80xi32, #tpu.memory_space<vmem>> -> memref<1x80xi32, #tpu.memory_space<vmem>>
    %dma_wait3A_118 = tpu.memref_squeeze %dma_wait3A_117 : memref<1x80xi32, #tpu.memory_space<vmem>> -> memref<80xi32, #tpu.memory_space<vmem>>
    %dma_wait3A_119 = arith.constant 0 : i32
    %dma_wait3A_120 = tpu.memref_slice %arg7[%dma_wait3A_119] : memref<10240xf32, #tpu.memory_space<vmem_shared>> -> memref<10240xf32, #tpu.memory_space<vmem_shared>>
    tpu.wait_indirect_dma semaphore(%arg21 : memref<!tpu.dma_semaphore, #tpu.memory_space<semaphore_mem>>) src(%arg13 : memref<80xf32, #tpu.memory_space<vmem>>) dst(%dma_wait3A_120 : memref<10240xf32, #tpu.memory_space<vmem_shared>>)
    %barrier3A_121 = arith.constant 0 : index
    tpu.barrier barrier_id(%barrier3A_121)
    %add3A_122 = arith.constant 0 : i32
    %add3A_123 = arith.addi %arg1, %add3A_122 : i32
    %lt3A_124 = arith.constant 125 : i32
    %lt3A_125 = arith.cmpi slt, %add3A_123, %lt3A_124 : i32
    %convert_element_type3A_126 = arith.extui %lt3A_125 : i1 to i32
    %cond3A_127 = arith.constant 0 : i32
    %cond3A_128 = arith.cmpi ne, %convert_element_type3A_126, %cond3A_127 : i32
    scf.if %cond3A_128 {
      %mul3A_244 = arith.constant 80 : i32
      %mul3A_245 = arith.muli %add3A_123, %mul3A_244 : i32
      %dma_start3A_246 = arith.constant 0 : i32
      %dma_start3A_247 = tpu.memref_slice %arg4[%arg0, %mul3A_245, %dma_start3A_246] : memref<2x10000x128xf32, #tpu.memory_space<hbm>> -> memref<1x80x128xf32, #tpu.memory_space<hbm>>
      %dma_start3A_248 = tpu.memref_squeeze %dma_start3A_247 : memref<1x80x128xf32, #tpu.memory_space<hbm>> -> memref<80x128xf32, #tpu.memory_space<hbm>>
      %dma_start3A_249 = arith.constant 0 : i32
      %dma_start3A_250 = tpu.memref_slice %arg6[%mul3A_245, %dma_start3A_249] : memref<10000x128xf32, #tpu.memory_space<vmem_shared>> -> memref<80x128xf32, #tpu.memory_space<vmem_shared>>
      tpu.enqueue_dma source(%dma_start3A_250 : memref<80x128xf32, #tpu.memory_space<vmem_shared>>) target(%dma_start3A_248 : memref<80x128xf32, #tpu.memory_space<hbm>>) target_semaphore(%arg23 : memref<!tpu.dma_semaphore, #tpu.memory_space<semaphore_mem>>)
    } else {
    }
    %add3A_129 = arith.constant 16 : i32
    %add3A_130 = arith.addi %arg1, %add3A_129 : i32
    %lt3A_131 = arith.constant 125 : i32
    %lt3A_132 = arith.cmpi slt, %add3A_130, %lt3A_131 : i32
    %convert_element_type3A_133 = arith.extui %lt3A_132 : i1 to i32
    %cond3A_134 = arith.constant 0 : i32
    %cond3A_135 = arith.cmpi ne, %convert_element_type3A_133, %cond3A_134 : i32
    scf.if %cond3A_135 {
      %mul3A_244 = arith.constant 80 : i32
      %mul3A_245 = arith.muli %add3A_130, %mul3A_244 : i32
      %dma_start3A_246 = arith.constant 0 : i32
      %dma_start3A_247 = tpu.memref_slice %arg4[%arg0, %mul3A_245, %dma_start3A_246] : memref<2x10000x128xf32, #tpu.memory_space<hbm>> -> memref<1x80x128xf32, #tpu.memory_space<hbm>>
      %dma_start3A_248 = tpu.memref_squeeze %dma_start3A_247 : memref<1x80x128xf32, #tpu.memory_space<hbm>> -> memref<80x128xf32, #tpu.memory_space<hbm>>
      %dma_start3A_249 = arith.constant 0 : i32
      %dma_start3A_250 = tpu.memref_slice %arg6[%mul3A_245, %dma_start3A_249] : memref<10000x128xf32, #tpu.memory_space<vmem_shared>> -> memref<80x128xf32, #tpu.memory_space<vmem_shared>>
      tpu.enqueue_dma source(%dma_start3A_250 : memref<80x128xf32, #tpu.memory_space<vmem_shared>>) target(%dma_start3A_248 : memref<80x128xf32, #tpu.memory_space<hbm>>) target_semaphore(%arg23 : memref<!tpu.dma_semaphore, #tpu.memory_space<semaphore_mem>>)
    } else {
    }
    %add3A_136 = arith.constant 32 : i32
    %add3A_137 = arith.addi %arg1, %add3A_136 : i32
    %lt3A_138 = arith.constant 125 : i32
    %lt3A_139 = arith.cmpi slt, %add3A_137, %lt3A_138 : i32
    %convert_element_type3A_140 = arith.extui %lt3A_139 : i1 to i32
    %cond3A_141 = arith.constant 0 : i32
    %cond3A_142 = arith.cmpi ne, %convert_element_type3A_140, %cond3A_141 : i32
    scf.if %cond3A_142 {
      %mul3A_244 = arith.constant 80 : i32
      %mul3A_245 = arith.muli %add3A_137, %mul3A_244 : i32
      %dma_start3A_246 = arith.constant 0 : i32
      %dma_start3A_247 = tpu.memref_slice %arg4[%arg0, %mul3A_245, %dma_start3A_246] : memref<2x10000x128xf32, #tpu.memory_space<hbm>> -> memref<1x80x128xf32, #tpu.memory_space<hbm>>
      %dma_start3A_248 = tpu.memref_squeeze %dma_start3A_247 : memref<1x80x128xf32, #tpu.memory_space<hbm>> -> memref<80x128xf32, #tpu.memory_space<hbm>>
      %dma_start3A_249 = arith.constant 0 : i32
      %dma_start3A_250 = tpu.memref_slice %arg6[%mul3A_245, %dma_start3A_249] : memref<10000x128xf32, #tpu.memory_space<vmem_shared>> -> memref<80x128xf32, #tpu.memory_space<vmem_shared>>
      tpu.enqueue_dma source(%dma_start3A_250 : memref<80x128xf32, #tpu.memory_space<vmem_shared>>) target(%dma_start3A_248 : memref<80x128xf32, #tpu.memory_space<hbm>>) target_semaphore(%arg23 : memref<!tpu.dma_semaphore, #tpu.memory_space<semaphore_mem>>)
    } else {
    }
    %add3A_143 = arith.constant 48 : i32
    %add3A_144 = arith.addi %arg1, %add3A_143 : i32
    %lt3A_145 = arith.constant 125 : i32
    %lt3A_146 = arith.cmpi slt, %add3A_144, %lt3A_145 : i32
    %convert_element_type3A_147 = arith.extui %lt3A_146 : i1 to i32
    %cond3A_148 = arith.constant 0 : i32
    %cond3A_149 = arith.cmpi ne, %convert_element_type3A_147, %cond3A_148 : i32
    scf.if %cond3A_149 {
      %mul3A_244 = arith.constant 80 : i32
      %mul3A_245 = arith.muli %add3A_144, %mul3A_244 : i32
      %dma_start3A_246 = arith.constant 0 : i32
      %dma_start3A_247 = tpu.memref_slice %arg4[%arg0, %mul3A_245, %dma_start3A_246] : memref<2x10000x128xf32, #tpu.memory_space<hbm>> -> memref<1x80x128xf32, #tpu.memory_space<hbm>>
      %dma_start3A_248 = tpu.memref_squeeze %dma_start3A_247 : memref<1x80x128xf32, #tpu.memory_space<hbm>> -> memref<80x128xf32, #tpu.memory_space<hbm>>
      %dma_start3A_249 = arith.constant 0 : i32
      %dma_start3A_250 = tpu.memref_slice %arg6[%mul3A_245, %dma_start3A_249] : memref<10000x128xf32, #tpu.memory_space<vmem_shared>> -> memref<80x128xf32, #tpu.memory_space<vmem_shared>>
      tpu.enqueue_dma source(%dma_start3A_250 : memref<80x128xf32, #tpu.memory_space<vmem_shared>>) target(%dma_start3A_248 : memref<80x128xf32, #tpu.memory_space<hbm>>) target_semaphore(%arg23 : memref<!tpu.dma_semaphore, #tpu.memory_space<semaphore_mem>>)
    } else {
    }
    %add3A_150 = arith.constant 64 : i32
    %add3A_151 = arith.addi %arg1, %add3A_150 : i32
    %lt3A_152 = arith.constant 125 : i32
    %lt3A_153 = arith.cmpi slt, %add3A_151, %lt3A_152 : i32
    %convert_element_type3A_154 = arith.extui %lt3A_153 : i1 to i32
    %cond3A_155 = arith.constant 0 : i32
    %cond3A_156 = arith.cmpi ne, %convert_element_type3A_154, %cond3A_155 : i32
    scf.if %cond3A_156 {
      %mul3A_244 = arith.constant 80 : i32
      %mul3A_245 = arith.muli %add3A_151, %mul3A_244 : i32
      %dma_start3A_246 = arith.constant 0 : i32
      %dma_start3A_247 = tpu.memref_slice %arg4[%arg0, %mul3A_245, %dma_start3A_246] : memref<2x10000x128xf32, #tpu.memory_space<hbm>> -> memref<1x80x128xf32, #tpu.memory_space<hbm>>
      %dma_start3A_248 = tpu.memref_squeeze %dma_start3A_247 : memref<1x80x128xf32, #tpu.memory_space<hbm>> -> memref<80x128xf32, #tpu.memory_space<hbm>>
      %dma_start3A_249 = arith.constant 0 : i32
      %dma_start3A_250 = tpu.memref_slice %arg6[%mul3A_245, %dma_start3A_249] : memref<10000x128xf32, #tpu.memory_space<vmem_shared>> -> memref<80x128xf32, #tpu.memory_space<vmem_shared>>
      tpu.enqueue_dma source(%dma_start3A_250 : memref<80x128xf32, #tpu.memory_space<vmem_shared>>) target(%dma_start3A_248 : memref<80x128xf32, #tpu.memory_space<hbm>>) target_semaphore(%arg23 : memref<!tpu.dma_semaphore, #tpu.memory_space<semaphore_mem>>)
    } else {
    }
    %add3A_157 = arith.constant 80 : i32
    %add3A_158 = arith.addi %arg1, %add3A_157 : i32
    %lt3A_159 = arith.constant 125 : i32
    %lt3A_160 = arith.cmpi slt, %add3A_158, %lt3A_159 : i32
    %convert_element_type3A_161 = arith.extui %lt3A_160 : i1 to i32
    %cond3A_162 = arith.constant 0 : i32
    %cond3A_163 = arith.cmpi ne, %convert_element_type3A_161, %cond3A_162 : i32
    scf.if %cond3A_163 {
      %mul3A_244 = arith.constant 80 : i32
      %mul3A_245 = arith.muli %add3A_158, %mul3A_244 : i32
      %dma_start3A_246 = arith.constant 0 : i32
      %dma_start3A_247 = tpu.memref_slice %arg4[%arg0, %mul3A_245, %dma_start3A_246] : memref<2x10000x128xf32, #tpu.memory_space<hbm>> -> memref<1x80x128xf32, #tpu.memory_space<hbm>>
      %dma_start3A_248 = tpu.memref_squeeze %dma_start3A_247 : memref<1x80x128xf32, #tpu.memory_space<hbm>> -> memref<80x128xf32, #tpu.memory_space<hbm>>
      %dma_start3A_249 = arith.constant 0 : i32
      %dma_start3A_250 = tpu.memref_slice %arg6[%mul3A_245, %dma_start3A_249] : memref<10000x128xf32, #tpu.memory_space<vmem_shared>> -> memref<80x128xf32, #tpu.memory_space<vmem_shared>>
      tpu.enqueue_dma source(%dma_start3A_250 : memref<80x128xf32, #tpu.memory_space<vmem_shared>>) target(%dma_start3A_248 : memref<80x128xf32, #tpu.memory_space<hbm>>) target_semaphore(%arg23 : memref<!tpu.dma_semaphore, #tpu.memory_space<semaphore_mem>>)
    } else {
    }
    %add3A_164 = arith.constant 96 : i32
    %add3A_165 = arith.addi %arg1, %add3A_164 : i32
    %lt3A_166 = arith.constant 125 : i32
    %lt3A_167 = arith.cmpi slt, %add3A_165, %lt3A_166 : i32
    %convert_element_type3A_168 = arith.extui %lt3A_167 : i1 to i32
    %cond3A_169 = arith.constant 0 : i32
    %cond3A_170 = arith.cmpi ne, %convert_element_type3A_168, %cond3A_169 : i32
    scf.if %cond3A_170 {
      %mul3A_244 = arith.constant 80 : i32
      %mul3A_245 = arith.muli %add3A_165, %mul3A_244 : i32
      %dma_start3A_246 = arith.constant 0 : i32
      %dma_start3A_247 = tpu.memref_slice %arg4[%arg0, %mul3A_245, %dma_start3A_246] : memref<2x10000x128xf32, #tpu.memory_space<hbm>> -> memref<1x80x128xf32, #tpu.memory_space<hbm>>
      %dma_start3A_248 = tpu.memref_squeeze %dma_start3A_247 : memref<1x80x128xf32, #tpu.memory_space<hbm>> -> memref<80x128xf32, #tpu.memory_space<hbm>>
      %dma_start3A_249 = arith.constant 0 : i32
      %dma_start3A_250 = tpu.memref_slice %arg6[%mul3A_245, %dma_start3A_249] : memref<10000x128xf32, #tpu.memory_space<vmem_shared>> -> memref<80x128xf32, #tpu.memory_space<vmem_shared>>
      tpu.enqueue_dma source(%dma_start3A_250 : memref<80x128xf32, #tpu.memory_space<vmem_shared>>) target(%dma_start3A_248 : memref<80x128xf32, #tpu.memory_space<hbm>>) target_semaphore(%arg23 : memref<!tpu.dma_semaphore, #tpu.memory_space<semaphore_mem>>)
    } else {
    }
    %add3A_171 = arith.constant 112 : i32
    %add3A_172 = arith.addi %arg1, %add3A_171 : i32
    %lt3A_173 = arith.constant 125 : i32
    %lt3A_174 = arith.cmpi slt, %add3A_172, %lt3A_173 : i32
    %convert_element_type3A_175 = arith.extui %lt3A_174 : i1 to i32
    %cond3A_176 = arith.constant 0 : i32
    %cond3A_177 = arith.cmpi ne, %convert_element_type3A_175, %cond3A_176 : i32
    scf.if %cond3A_177 {
      %mul3A_244 = arith.constant 80 : i32
      %mul3A_245 = arith.muli %add3A_172, %mul3A_244 : i32
      %dma_start3A_246 = arith.constant 0 : i32
      %dma_start3A_247 = tpu.memref_slice %arg4[%arg0, %mul3A_245, %dma_start3A_246] : memref<2x10000x128xf32, #tpu.memory_space<hbm>> -> memref<1x80x128xf32, #tpu.memory_space<hbm>>
      %dma_start3A_248 = tpu.memref_squeeze %dma_start3A_247 : memref<1x80x128xf32, #tpu.memory_space<hbm>> -> memref<80x128xf32, #tpu.memory_space<hbm>>
      %dma_start3A_249 = arith.constant 0 : i32
      %dma_start3A_250 = tpu.memref_slice %arg6[%mul3A_245, %dma_start3A_249] : memref<10000x128xf32, #tpu.memory_space<vmem_shared>> -> memref<80x128xf32, #tpu.memory_space<vmem_shared>>
      tpu.enqueue_dma source(%dma_start3A_250 : memref<80x128xf32, #tpu.memory_space<vmem_shared>>) target(%dma_start3A_248 : memref<80x128xf32, #tpu.memory_space<hbm>>) target_semaphore(%arg23 : memref<!tpu.dma_semaphore, #tpu.memory_space<semaphore_mem>>)
    } else {
    }
    %lt3A_178 = arith.constant 5 : i32
    %lt3A_179 = arith.cmpi slt, %arg1, %lt3A_178 : i32
    %convert_element_type3A_180 = arith.extui %lt3A_179 : i1 to i32
    %cond3A_181 = arith.constant 0 : i32
    %cond3A_182 = arith.cmpi ne, %convert_element_type3A_180, %cond3A_181 : i32
    scf.if %cond3A_182 {
      %mul3A_244 = arith.constant 2048 : i32
      %mul3A_245 = arith.muli %arg1, %mul3A_244 : i32
      %mul3A_246 = arith.constant 10240 : i32
      %mul3A_247 = arith.muli %arg0, %mul3A_246 : i32
      %mul3A_248 = arith.constant 2048 : i32
      %mul3A_249 = arith.muli %arg1, %mul3A_248 : i32
      %add3A_250 = arith.addi %mul3A_247, %mul3A_249 : i32
      %dma_start3A_251 = tpu.memref_slice %arg5[%add3A_250] : memref<20480xf32, #tpu.memory_space<hbm>> -> memref<2048xf32, #tpu.memory_space<hbm>>
      %dma_start3A_252 = tpu.memref_slice %arg7[%mul3A_245] : memref<10240xf32, #tpu.memory_space<vmem_shared>> -> memref<2048xf32, #tpu.memory_space<vmem_shared>>
      tpu.enqueue_dma source(%dma_start3A_252 : memref<2048xf32, #tpu.memory_space<vmem_shared>>) target(%dma_start3A_251 : memref<2048xf32, #tpu.memory_space<hbm>>) target_semaphore(%arg23 : memref<!tpu.dma_semaphore, #tpu.memory_space<semaphore_mem>>)
    } else {
    }
    %add3A_183 = arith.constant 0 : i32
    %add3A_184 = arith.addi %arg1, %add3A_183 : i32
    %lt3A_185 = arith.constant 125 : i32
    %lt3A_186 = arith.cmpi slt, %add3A_184, %lt3A_185 : i32
    %convert_element_type3A_187 = arith.extui %lt3A_186 : i1 to i32
    %cond3A_188 = arith.constant 0 : i32
    %cond3A_189 = arith.cmpi ne, %convert_element_type3A_187, %cond3A_188 : i32
    scf.if %cond3A_189 {
      %mul3A_244 = arith.constant 80 : i32
      %mul3A_245 = arith.muli %add3A_184, %mul3A_244 : i32
      %dma_wait3A_246 = arith.constant 0 : i32
      %dma_wait3A_247 = tpu.memref_slice %arg4[%arg0, %mul3A_245, %dma_wait3A_246] : memref<2x10000x128xf32, #tpu.memory_space<hbm>> -> memref<1x80x128xf32, #tpu.memory_space<hbm>>
      %dma_wait3A_248 = tpu.memref_squeeze %dma_wait3A_247 : memref<1x80x128xf32, #tpu.memory_space<hbm>> -> memref<80x128xf32, #tpu.memory_space<hbm>>
      %dma_wait3A_249 = arith.constant 0 : i32
      %dma_wait3A_250 = tpu.memref_slice %arg6[%mul3A_245, %dma_wait3A_249] : memref<10000x128xf32, #tpu.memory_space<vmem_shared>> -> memref<80x128xf32, #tpu.memory_space<vmem_shared>>
      tpu.wait_dma2 semaphore(%arg23 : memref<!tpu.dma_semaphore, #tpu.memory_space<semaphore_mem>>) src(%dma_wait3A_250 : memref<80x128xf32, #tpu.memory_space<vmem_shared>>) dst(%dma_wait3A_248 : memref<80x128xf32, #tpu.memory_space<hbm>>)
    } else {
    }
    %add3A_190 = arith.constant 16 : i32
    %add3A_191 = arith.addi %arg1, %add3A_190 : i32
    %lt3A_192 = arith.constant 125 : i32
    %lt3A_193 = arith.cmpi slt, %add3A_191, %lt3A_192 : i32
    %convert_element_type3A_194 = arith.extui %lt3A_193 : i1 to i32
    %cond3A_195 = arith.constant 0 : i32
    %cond3A_196 = arith.cmpi ne, %convert_element_type3A_194, %cond3A_195 : i32
    scf.if %cond3A_196 {
      %mul3A_244 = arith.constant 80 : i32
      %mul3A_245 = arith.muli %add3A_191, %mul3A_244 : i32
      %dma_wait3A_246 = arith.constant 0 : i32
      %dma_wait3A_247 = tpu.memref_slice %arg4[%arg0, %mul3A_245, %dma_wait3A_246] : memref<2x10000x128xf32, #tpu.memory_space<hbm>> -> memref<1x80x128xf32, #tpu.memory_space<hbm>>
      %dma_wait3A_248 = tpu.memref_squeeze %dma_wait3A_247 : memref<1x80x128xf32, #tpu.memory_space<hbm>> -> memref<80x128xf32, #tpu.memory_space<hbm>>
      %dma_wait3A_249 = arith.constant 0 : i32
      %dma_wait3A_250 = tpu.memref_slice %arg6[%mul3A_245, %dma_wait3A_249] : memref<10000x128xf32, #tpu.memory_space<vmem_shared>> -> memref<80x128xf32, #tpu.memory_space<vmem_shared>>
      tpu.wait_dma2 semaphore(%arg23 : memref<!tpu.dma_semaphore, #tpu.memory_space<semaphore_mem>>) src(%dma_wait3A_250 : memref<80x128xf32, #tpu.memory_space<vmem_shared>>) dst(%dma_wait3A_248 : memref<80x128xf32, #tpu.memory_space<hbm>>)
    } else {
    }
    %add3A_197 = arith.constant 32 : i32
    %add3A_198 = arith.addi %arg1, %add3A_197 : i32
    %lt3A_199 = arith.constant 125 : i32
    %lt3A_200 = arith.cmpi slt, %add3A_198, %lt3A_199 : i32
    %convert_element_type3A_201 = arith.extui %lt3A_200 : i1 to i32
    %cond3A_202 = arith.constant 0 : i32
    %cond3A_203 = arith.cmpi ne, %convert_element_type3A_201, %cond3A_202 : i32
    scf.if %cond3A_203 {
      %mul3A_244 = arith.constant 80 : i32
      %mul3A_245 = arith.muli %add3A_198, %mul3A_244 : i32
      %dma_wait3A_246 = arith.constant 0 : i32
      %dma_wait3A_247 = tpu.memref_slice %arg4[%arg0, %mul3A_245, %dma_wait3A_246] : memref<2x10000x128xf32, #tpu.memory_space<hbm>> -> memref<1x80x128xf32, #tpu.memory_space<hbm>>
      %dma_wait3A_248 = tpu.memref_squeeze %dma_wait3A_247 : memref<1x80x128xf32, #tpu.memory_space<hbm>> -> memref<80x128xf32, #tpu.memory_space<hbm>>
      %dma_wait3A_249 = arith.constant 0 : i32
      %dma_wait3A_250 = tpu.memref_slice %arg6[%mul3A_245, %dma_wait3A_249] : memref<10000x128xf32, #tpu.memory_space<vmem_shared>> -> memref<80x128xf32, #tpu.memory_space<vmem_shared>>
      tpu.wait_dma2 semaphore(%arg23 : memref<!tpu.dma_semaphore, #tpu.memory_space<semaphore_mem>>) src(%dma_wait3A_250 : memref<80x128xf32, #tpu.memory_space<vmem_shared>>) dst(%dma_wait3A_248 : memref<80x128xf32, #tpu.memory_space<hbm>>)
    } else {
    }
    %add3A_204 = arith.constant 48 : i32
    %add3A_205 = arith.addi %arg1, %add3A_204 : i32
    %lt3A_206 = arith.constant 125 : i32
    %lt3A_207 = arith.cmpi slt, %add3A_205, %lt3A_206 : i32
    %convert_element_type3A_208 = arith.extui %lt3A_207 : i1 to i32
    %cond3A_209 = arith.constant 0 : i32
    %cond3A_210 = arith.cmpi ne, %convert_element_type3A_208, %cond3A_209 : i32
    scf.if %cond3A_210 {
      %mul3A_244 = arith.constant 80 : i32
      %mul3A_245 = arith.muli %add3A_205, %mul3A_244 : i32
      %dma_wait3A_246 = arith.constant 0 : i32
      %dma_wait3A_247 = tpu.memref_slice %arg4[%arg0, %mul3A_245, %dma_wait3A_246] : memref<2x10000x128xf32, #tpu.memory_space<hbm>> -> memref<1x80x128xf32, #tpu.memory_space<hbm>>
      %dma_wait3A_248 = tpu.memref_squeeze %dma_wait3A_247 : memref<1x80x128xf32, #tpu.memory_space<hbm>> -> memref<80x128xf32, #tpu.memory_space<hbm>>
      %dma_wait3A_249 = arith.constant 0 : i32
      %dma_wait3A_250 = tpu.memref_slice %arg6[%mul3A_245, %dma_wait3A_249] : memref<10000x128xf32, #tpu.memory_space<vmem_shared>> -> memref<80x128xf32, #tpu.memory_space<vmem_shared>>
      tpu.wait_dma2 semaphore(%arg23 : memref<!tpu.dma_semaphore, #tpu.memory_space<semaphore_mem>>) src(%dma_wait3A_250 : memref<80x128xf32, #tpu.memory_space<vmem_shared>>) dst(%dma_wait3A_248 : memref<80x128xf32, #tpu.memory_space<hbm>>)
    } else {
    }
    %add3A_211 = arith.constant 64 : i32
    %add3A_212 = arith.addi %arg1, %add3A_211 : i32
    %lt3A_213 = arith.constant 125 : i32
    %lt3A_214 = arith.cmpi slt, %add3A_212, %lt3A_213 : i32
    %convert_element_type3A_215 = arith.extui %lt3A_214 : i1 to i32
    %cond3A_216 = arith.constant 0 : i32
    %cond3A_217 = arith.cmpi ne, %convert_element_type3A_215, %cond3A_216 : i32
    scf.if %cond3A_217 {
      %mul3A_244 = arith.constant 80 : i32
      %mul3A_245 = arith.muli %add3A_212, %mul3A_244 : i32
      %dma_wait3A_246 = arith.constant 0 : i32
      %dma_wait3A_247 = tpu.memref_slice %arg4[%arg0, %mul3A_245, %dma_wait3A_246] : memref<2x10000x128xf32, #tpu.memory_space<hbm>> -> memref<1x80x128xf32, #tpu.memory_space<hbm>>
      %dma_wait3A_248 = tpu.memref_squeeze %dma_wait3A_247 : memref<1x80x128xf32, #tpu.memory_space<hbm>> -> memref<80x128xf32, #tpu.memory_space<hbm>>
      %dma_wait3A_249 = arith.constant 0 : i32
      %dma_wait3A_250 = tpu.memref_slice %arg6[%mul3A_245, %dma_wait3A_249] : memref<10000x128xf32, #tpu.memory_space<vmem_shared>> -> memref<80x128xf32, #tpu.memory_space<vmem_shared>>
      tpu.wait_dma2 semaphore(%arg23 : memref<!tpu.dma_semaphore, #tpu.memory_space<semaphore_mem>>) src(%dma_wait3A_250 : memref<80x128xf32, #tpu.memory_space<vmem_shared>>) dst(%dma_wait3A_248 : memref<80x128xf32, #tpu.memory_space<hbm>>)
    } else {
    }
    %add3A_218 = arith.constant 80 : i32
    %add3A_219 = arith.addi %arg1, %add3A_218 : i32
    %lt3A_220 = arith.constant 125 : i32
    %lt3A_221 = arith.cmpi slt, %add3A_219, %lt3A_220 : i32
    %convert_element_type3A_222 = arith.extui %lt3A_221 : i1 to i32
    %cond3A_223 = arith.constant 0 : i32
    %cond3A_224 = arith.cmpi ne, %convert_element_type3A_222, %cond3A_223 : i32
    scf.if %cond3A_224 {
      %mul3A_244 = arith.constant 80 : i32
      %mul3A_245 = arith.muli %add3A_219, %mul3A_244 : i32
      %dma_wait3A_246 = arith.constant 0 : i32
      %dma_wait3A_247 = tpu.memref_slice %arg4[%arg0, %mul3A_245, %dma_wait3A_246] : memref<2x10000x128xf32, #tpu.memory_space<hbm>> -> memref<1x80x128xf32, #tpu.memory_space<hbm>>
      %dma_wait3A_248 = tpu.memref_squeeze %dma_wait3A_247 : memref<1x80x128xf32, #tpu.memory_space<hbm>> -> memref<80x128xf32, #tpu.memory_space<hbm>>
      %dma_wait3A_249 = arith.constant 0 : i32
      %dma_wait3A_250 = tpu.memref_slice %arg6[%mul3A_245, %dma_wait3A_249] : memref<10000x128xf32, #tpu.memory_space<vmem_shared>> -> memref<80x128xf32, #tpu.memory_space<vmem_shared>>
      tpu.wait_dma2 semaphore(%arg23 : memref<!tpu.dma_semaphore, #tpu.memory_space<semaphore_mem>>) src(%dma_wait3A_250 : memref<80x128xf32, #tpu.memory_space<vmem_shared>>) dst(%dma_wait3A_248 : memref<80x128xf32, #tpu.memory_space<hbm>>)
    } else {
    }
    %add3A_225 = arith.constant 96 : i32
    %add3A_226 = arith.addi %arg1, %add3A_225 : i32
    %lt3A_227 = arith.constant 125 : i32
    %lt3A_228 = arith.cmpi slt, %add3A_226, %lt3A_227 : i32
    %convert_element_type3A_229 = arith.extui %lt3A_228 : i1 to i32
    %cond3A_230 = arith.constant 0 : i32
    %cond3A_231 = arith.cmpi ne, %convert_element_type3A_229, %cond3A_230 : i32
    scf.if %cond3A_231 {
      %mul3A_244 = arith.constant 80 : i32
      %mul3A_245 = arith.muli %add3A_226, %mul3A_244 : i32
      %dma_wait3A_246 = arith.constant 0 : i32
      %dma_wait3A_247 = tpu.memref_slice %arg4[%arg0, %mul3A_245, %dma_wait3A_246] : memref<2x10000x128xf32, #tpu.memory_space<hbm>> -> memref<1x80x128xf32, #tpu.memory_space<hbm>>
      %dma_wait3A_248 = tpu.memref_squeeze %dma_wait3A_247 : memref<1x80x128xf32, #tpu.memory_space<hbm>> -> memref<80x128xf32, #tpu.memory_space<hbm>>
      %dma_wait3A_249 = arith.constant 0 : i32
      %dma_wait3A_250 = tpu.memref_slice %arg6[%mul3A_245, %dma_wait3A_249] : memref<10000x128xf32, #tpu.memory_space<vmem_shared>> -> memref<80x128xf32, #tpu.memory_space<vmem_shared>>
      tpu.wait_dma2 semaphore(%arg23 : memref<!tpu.dma_semaphore, #tpu.memory_space<semaphore_mem>>) src(%dma_wait3A_250 : memref<80x128xf32, #tpu.memory_space<vmem_shared>>) dst(%dma_wait3A_248 : memref<80x128xf32, #tpu.memory_space<hbm>>)
    } else {
    }
    %add3A_232 = arith.constant 112 : i32
    %add3A_233 = arith.addi %arg1, %add3A_232 : i32
    %lt3A_234 = arith.constant 125 : i32
    %lt3A_235 = arith.cmpi slt, %add3A_233, %lt3A_234 : i32
    %convert_element_type3A_236 = arith.extui %lt3A_235 : i1 to i32
    %cond3A_237 = arith.constant 0 : i32
    %cond3A_238 = arith.cmpi ne, %convert_element_type3A_236, %cond3A_237 : i32
    scf.if %cond3A_238 {
      %mul3A_244 = arith.constant 80 : i32
      %mul3A_245 = arith.muli %add3A_233, %mul3A_244 : i32
      %dma_wait3A_246 = arith.constant 0 : i32
      %dma_wait3A_247 = tpu.memref_slice %arg4[%arg0, %mul3A_245, %dma_wait3A_246] : memref<2x10000x128xf32, #tpu.memory_space<hbm>> -> memref<1x80x128xf32, #tpu.memory_space<hbm>>
      %dma_wait3A_248 = tpu.memref_squeeze %dma_wait3A_247 : memref<1x80x128xf32, #tpu.memory_space<hbm>> -> memref<80x128xf32, #tpu.memory_space<hbm>>
      %dma_wait3A_249 = arith.constant 0 : i32
      %dma_wait3A_250 = tpu.memref_slice %arg6[%mul3A_245, %dma_wait3A_249] : memref<10000x128xf32, #tpu.memory_space<vmem_shared>> -> memref<80x128xf32, #tpu.memory_space<vmem_shared>>
      tpu.wait_dma2 semaphore(%arg23 : memref<!tpu.dma_semaphore, #tpu.memory_space<semaphore_mem>>) src(%dma_wait3A_250 : memref<80x128xf32, #tpu.memory_space<vmem_shared>>) dst(%dma_wait3A_248 : memref<80x128xf32, #tpu.memory_space<hbm>>)
    } else {
    }
    %lt3A_239 = arith.constant 5 : i32
    %lt3A_240 = arith.cmpi slt, %arg1, %lt3A_239 : i32
    %convert_element_type3A_241 = arith.extui %lt3A_240 : i1 to i32
    %cond3A_242 = arith.constant 0 : i32
    %cond3A_243 = arith.cmpi ne, %convert_element_type3A_241, %cond3A_242 : i32
    scf.if %cond3A_243 {
      %mul3A_244 = arith.constant 2048 : i32
      %mul3A_245 = arith.muli %arg1, %mul3A_244 : i32
      %mul3A_246 = arith.constant 10240 : i32
      %mul3A_247 = arith.muli %arg0, %mul3A_246 : i32
      %mul3A_248 = arith.constant 2048 : i32
      %mul3A_249 = arith.muli %arg1, %mul3A_248 : i32
      %add3A_250 = arith.addi %mul3A_247, %mul3A_249 : i32
      %dma_wait3A_251 = tpu.memref_slice %arg5[%add3A_250] : memref<20480xf32, #tpu.memory_space<hbm>> -> memref<2048xf32, #tpu.memory_space<hbm>>
      %dma_wait3A_252 = tpu.memref_slice %arg7[%mul3A_245] : memref<10240xf32, #tpu.memory_space<vmem_shared>> -> memref<2048xf32, #tpu.memory_space<vmem_shared>>
      tpu.wait_dma2 semaphore(%arg23 : memref<!tpu.dma_semaphore, #tpu.memory_space<semaphore_mem>>) src(%dma_wait3A_252 : memref<2048xf32, #tpu.memory_space<vmem_shared>>) dst(%dma_wait3A_251 : memref<2048xf32, #tpu.memory_space<hbm>>)
    } else {
    }
    return
  }
}

module attributes {stable_mosaic.version = 14 : i64} {
  func.func @_tc_body(%arg0: i32, %arg1: memref<2x2000x128xf32, #tpu.memory_space<vmem>>, %arg2: memref<2000x2xf32, #tpu.memory_space<vmem>>, %arg3: memref<128x128xf32, #tpu.memory_space<vmem>>, %arg4: memref<1x128xf32, #tpu.memory_space<vmem>>, %arg5: memref<2000x128xf32, #tpu.memory_space<vmem>>) attributes {dimension_semantics = [#tpu.dimension_semantics<arbitrary>], iteration_bounds = array<i64: 5>, scalar_prefetch = 0 : i64, scratch_operands = 0 : i64, tpu.core_type = #tpu.core_type<tc>, window_params = [{transform_indices = @transform_0, window_bounds = array<i64: 2, 2000, 128>}, {transform_indices = @transform_1, window_bounds = array<i64: 2000, 2>}, {pipeline_mode = #tpu.pipeline_mode<synchronous>, transform_indices = @transform_2, window_bounds = array<i64: 128, 128>}, {pipeline_mode = #tpu.pipeline_mode<synchronous>, transform_indices = @transform_3, window_bounds = array<i64: 1, 128>}, {transform_indices = @transform_4, window_bounds = array<i64: 2000, 128>}]} {
    %get3A = arith.constant 0 : index
    %get3A_0 = arith.constant 0 : index
    %get3A_1 = arith.constant 0 : index
    %get3A_2 = vector.load %arg1[%get3A, %get3A_0, %get3A_1] : memref<2x2000x128xf32, #tpu.memory_space<vmem>>, vector<1x2000x128xf32>
    %get3A_3 = vector.shape_cast %get3A_2 : vector<1x2000x128xf32> to vector<2000x128xf32>
    %get3A_4 = arith.constant 1 : index
    %get3A_5 = arith.constant 0 : index
    %get3A_6 = arith.constant 0 : index
    %get3A_7 = vector.load %arg1[%get3A_4, %get3A_5, %get3A_6] : memref<2x2000x128xf32, #tpu.memory_space<vmem>>, vector<1x2000x128xf32>
    %get3A_8 = vector.shape_cast %get3A_7 : vector<1x2000x128xf32> to vector<2000x128xf32>
    %add3A = arith.addf %get3A_3, %get3A_8 : vector<2000x128xf32>
    %get3A_9 = arith.constant 0 : index
    %get3A_10 = arith.constant 0 : index
    %get3A_11 = vector.load %arg2[%get3A_9, %get3A_10] : memref<2000x2xf32, #tpu.memory_space<vmem>>, vector<2000x1xf32>
    %get3A_12 = arith.constant 0 : index
    %get3A_13 = arith.constant 1 : index
    %get3A_14 = vector.load %arg2[%get3A_12, %get3A_13] : memref<2000x2xf32, #tpu.memory_space<vmem>>, vector<2000x1xf32>
    %add3A_15 = arith.addf %get3A_11, %get3A_14 : vector<2000x1xf32>
    %max3A = arith.constant 1.000000e+00 : f32
    %max3A_16 = vector.broadcast %max3A : f32 to vector<2000x1xf32>
    %max3A_17 = arith.maximumf %add3A_15, %max3A_16 : vector<2000x1xf32>
    %div3A = vector.broadcast %max3A_17 : vector<2000x1xf32> to vector<2000x128xf32>
    %div3A_18 = arith.divf %add3A, %div3A : vector<2000x128xf32>
    %get3A_19 = arith.constant 0 : index
    %get3A_20 = arith.constant 0 : index
    %get3A_21 = vector.load %arg3[%get3A_19, %get3A_20] : memref<128x128xf32, #tpu.memory_space<vmem>>, vector<128x128xf32>
    %dot_general3A = arith.constant dense<0.000000e+00> : vector<2000x128xf32>
    %dot_general3A_22 = tpu.matmul %div3A_18, %get3A_21, %dot_general3A {dimension_numbers = #tpu.dot_dimension_numbers<[1], [1], [0], [0], [0, 0, 1, 0], [], []>, precision = #tpu.contract_precision<fp32>, transpose_lhs_hint = false} : vector<2000x128xf32>, vector<128x128xf32>, vector<2000x128xf32> -> vector<2000x128xf32>
    %get3A_23 = arith.constant 0 : index
    %get3A_24 = arith.constant 0 : index
    %get3A_25 = vector.load %arg4[%get3A_23, %get3A_24] : memref<1x128xf32, #tpu.memory_space<vmem>>, vector<1x128xf32>
    %add3A_26 = vector.broadcast %get3A_25 : vector<1x128xf32> to vector<2000x128xf32>
    %add3A_27 = arith.addf %dot_general3A_22, %add3A_26 : vector<2000x128xf32>
    %swap3A = arith.constant 0 : index
    %swap3A_28 = arith.constant 0 : index
    %swap3A_29 = vector.load %arg5[%swap3A, %swap3A_28] : memref<2000x128xf32, #tpu.memory_space<vmem>>, vector<2000x128xf32>
    tpu.vector_store %arg5[%swap3A, %swap3A_28], %add3A_27 {strides = array<i32>} : memref<2000x128xf32, #tpu.memory_space<vmem>>, vector<2000x128xf32>,
    return
  }
  func.func @transform_0(%arg0: i32) -> (i32, i32, i32) {
    %c0_i32 = arith.constant 0 : i32
    %c0_i32_0 = arith.constant 0 : i32
    %c0_i32_1 = arith.constant 0 : i32
    return %c0_i32, %arg0, %c0_i32_0 : i32, i32, i32
  }
  func.func @transform_1(%arg0: i32) -> (i32, i32) {
    %c0_i32 = arith.constant 0 : i32
    %c0_i32_0 = arith.constant 0 : i32
    return %arg0, %c0_i32 : i32, i32
  }
  func.func @transform_2(%arg0: i32) -> (i32, i32) {
    %c0_i32 = arith.constant 0 : i32
    %c0_i32_0 = arith.constant 0 : i32
    %c0_i32_1 = arith.constant 0 : i32
    return %c0_i32, %c0_i32_0 : i32, i32
  }
  func.func @transform_3(%arg0: i32) -> (i32, i32) {
    %c0_i32 = arith.constant 0 : i32
    %c0_i32_0 = arith.constant 0 : i32
    %c0_i32_1 = arith.constant 0 : i32
    return %c0_i32, %c0_i32_0 : i32, i32
  }
  func.func @transform_4(%arg0: i32) -> (i32, i32) {
    %c0_i32 = arith.constant 0 : i32
    %c0_i32_0 = arith.constant 0 : i32
    return %arg0, %c0_i32 : i32, i32
  }
}

</mosaic_0001>

<sc_bundles>
// kernel: kernel.4.cloned.1.call-start
scs
__scs_entry_jumppad:
0x0: {  	(pc) =	sbr.rel $0x88, $3  }
0x1: {  	(tag) =	ssettag $0x0;
	lr =	simm.s32 $0x1  }
0x2: {  	[smem:$0x3F9D] =	sst lr;
	_ =	strace $0xD0000000  }
0x3: {  	_ = 	snop  }
0x4: {  	_ = 	snop  }
0x5: {  	_ = 	snop  }
0x6: {  	_ = 	snop  }
0x7: {  	_ = 	snop  }
__scs_overlays_trampoline_lowered:
0x8: {  	[smem:$0x3FAC] =	sst s0  }
0x9: {  	[smem:$0x3FAD] =	sst s1  }
0xa: {  	[smem:$0x3FAE] =	sst s2  }
0xb: {  	[smem:$0x3FAF] =	sst s3  }
0xc: {  	[smem:$0x3FB0] =	sst s4  }
0xd: {  	[smem:$0x3FB1] =	sst s5  }
0xe: {  	[smem:$0x3FB2] =	sst s6  }
0xf: {  	[smem:$0x3FB3] =	sst s7  }
0x10: {  	[smem:$0x3FB4] =	sst s8  }
0x11: {  	[smem:$0x3FB5] =	sst s9;
	s0 =	simm.s32 @!p0 $0x0  }
0x12: {  	s1 =	sld [smem:$0x3F9B];
	s0 =	simm.s32 @p0 $0x1  }
0x13: {  	[smem:$0x3FB6] =	sst s0;
	s0 =	simm.s32 @!p1 $0x0  }
0x14: {  	s2 =	sld [smem:$0x3F9A];
	s0 =	simm.s32 @p1 $0x1  }
0x15: {  	[smem:$0x3FB7] =	sst s0;
	s0 =	simm.s32 @!p2 $0x0  }
0x16: {  	s3 =	sld [smem:$0x3FDB];
	s0 =	simm.s32 @p2 $0x1  }
0x17: {  	s4 =	simm.s32 $0x1BF5;
	[smem:$0x3FB9] =	sst s0  }
0x18: {  	s0 =	sld [smem:$0x3F9C];
	_ =	swait.ge [sflag:s4], $0x0  }
0x19: {  	s7 =	sld [smem:$0x3F9D]  }
0x1a: {  	s8 =	sadd.s32 $0xFFFFE003, lr  }
0x1b: {  	s9 =	sadd.s32 $0xFFFFFEF7, lr;
	s5 =	simm.s32 $0xFFFFFFFF;
	p2 =	slt.u32 s8, $0xFFFFF086  }
0x1c: {  	p1 =	slt.u32 s9, $0xF7A;
	s5 =	simm.s32 @!p2 $0x0  }
0x1d: {  	s5 =	simm.s32 @p1 $0x1;
	p0 =	seq.s32 s7, s2  }
0x1e: {  	s7 =	smul.u32 @!p0 $0xF7A, s2;
	p2 =	seq.s32 @!p0 s5, $0x0  }
0x1f: {  	s9 =	smul.u32 $0xF7A, s1;
	s8 =	simm.s32 @!p0 $0x1BF5;
	p2 =	por !p2, p0  }
0x20: {  	[sflag:s8] =	ssyncset.s32 @!p0 $0xFFFFF086;
	s6 =	sadd.s32 @!p0 s3, s7;
	s7 =	simm.s32 @!p0 $0x108  }
0x21: {  	s3 =	sadd.s32 s3, s9;
	s6 =	sadd.s32 @!p0 $0x88, s6;
	s7 =	simm.s32 @p2 $0x1082  }
0x22: {  	[simem:s7], [sflag:s8] =	dma.local @!p0 [hbm:s6], $0xF7A  }
0x23: {  	s9 =	sor.u32 $0xD0000000, s2;
	s6 =	simm.s32 $0x108;
	_ =	swait.ge @!p0 [sflag:s8], $0x0  }
0x24: {  	s3 =	sadd.s32 $0x88, s3;
	s6 =	simm.s32 @!p1 $0x1082;
	[sflag:s4] =	ssyncset.s32 $0xFFFFF086  }
0x25: {  	[simem:s6], [sflag:s4] =	dma.local [hbm:s3], $0xF7A  }
0x26: {  	[smem:$0x3F9D] =	sst s1;
	(tag) =	ssettag s2;
	_ =	strace s9  }
0x27: {  	s1 =	sld [smem:$0x3FAD]  }
0x28: {  	s2 =	sld [smem:$0x3FAE]  }
0x29: {  	s4 =	sld [smem:$0x3FB0]  }
0x2a: {  	p0 =	seq.s32 s5, $0x0;
	s5 =	sld [smem:$0x3FB1]  }
0x2b: {  	s6 =	sld [smem:$0x3FB2]  }
0x2c: {  	s7 =	sld [smem:$0x3FB3]  }
0x2d: {  	s3 =	simm.s32 $0x108;
	s8 =	sld [smem:$0x3FB4]  }
0x2e: {  	s3 =	simm.s32 @!p0 $0x1082;
	s9 =	sld [smem:$0x3FB5]  }
0x2f: {  	lr =	sadd.s32 s0, s3;
	s0 =	sld [smem:$0x3FAC]  }
0x30: {  	s3 =	sld [smem:$0x3FAF]  }
0x31: {  	[smem:$0x3FB8] =	sst s10  }
0x32: {  	s10 =	sld [smem:$0x3FB6];
	_ =	sdelay $0x3  }
0x33: {  	p0 =	seq.s32 s10, $0x1;
	s10 =	sld [smem:$0x3FB8];
	_ =	sdelay $0x3  }
0x34: {  	[smem:$0x3FB8] =	sst s10  }
0x35: {  	s10 =	sld [smem:$0x3FB7];
	_ =	sdelay $0x3  }
0x36: {  	p1 =	seq.s32 s10, $0x1;
	s10 =	sld [smem:$0x3FB8];
	_ =	sdelay $0x3  }
0x37: {  	[smem:$0x3FB8] =	sst s10  }
0x38: {  	s10 =	sld [smem:$0x3FB9]  }
0x39: {  	_ = 	snop;
	(pc) =	sbr.ind lr, $3  }
0x3a: {  	_ = 	snop  }
0x3b: {  	_ = 	snop  }
0x3c: {  	p2 =	seq.s32 s10, $0x1;
	s10 =	sld [smem:$0x3FB8]  }
0x3d: {  	_ =	shalt  }
0x3e: {  	_ =	shalt  }
0x3f: {  	_ =	shalt  }
0x40: {  	_ =	shalt  }
0x41: {  	_ =	shalt  }
0x42: {  	_ =	shalt  }
0x43: {  	_ =	shalt  }
0x44: {  	_ =	shalt  }
0x45: {  	_ =	shalt  }
0x46: {  	_ =	shalt  }
0x47: {  	_ =	shalt  }
0x48: {  	_ =	shalt  }
0x49: {  	_ =	shalt  }
0x4a: {  	_ =	shalt  }
0x4b: {  	_ =	shalt  }
0x4c: {  	_ =	shalt  }
0x4d: {  	_ =	shalt  }
0x4e: {  	_ =	shalt  }
0x4f: {  	_ =	shalt  }
0x50: {  	_ =	shalt  }
0x51: {  	_ =	shalt  }
0x52: {  	_ =	shalt  }
0x53: {  	_ =	shalt  }
0x54: {  	_ =	shalt  }
0x55: {  	_ =	shalt  }
0x56: {  	_ =	shalt  }
0x57: {  	_ =	shalt  }
0x58: {  	_ =	shalt  }
0x59: {  	_ =	shalt  }
0x5a: {  	_ =	shalt  }
0x5b: {  	_ =	shalt  }
0x5c: {  	_ =	shalt  }
0x5d: {  	_ =	shalt  }
0x5e: {  	_ =	shalt  }
0x5f: {  	_ =	shalt  }
0x60: {  	_ =	shalt  }
0x61: {  	_ =	shalt  }
0x62: {  	_ =	shalt  }
0x63: {  	_ =	shalt  }
0x64: {  	_ =	shalt  }
0x65: {  	_ =	shalt  }
0x66: {  	_ =	shalt  }
0x67: {  	_ =	shalt  }
0x68: {  	_ =	shalt  }
0x69: {  	_ =	shalt  }
0x6a: {  	_ =	shalt  }
0x6b: {  	_ =	shalt  }
0x6c: {  	_ =	shalt  }
0x6d: {  	_ =	shalt  }
0x6e: {  	_ =	shalt  }
0x6f: {  	_ =	shalt  }
0x70: {  	_ =	shalt  }
0x71: {  	_ =	shalt  }
0x72: {  	_ =	shalt  }
0x73: {  	_ =	shalt  }
0x74: {  	_ =	shalt  }
0x75: {  	_ =	shalt  }
0x76: {  	_ =	shalt  }
0x77: {  	_ =	shalt  }
0x78: {  	_ =	shalt  }
0x79: {  	_ =	shalt  }
0x7a: {  	_ =	shalt  }
0x7b: {  	_ =	shalt  }
0x7c: {  	_ =	shalt  }
0x7d: {  	_ =	shalt  }
0x7e: {  	_ =	shalt  }
0x7f: {  	_ =	shalt  }
0x80: {  	_ =	shalt  }
0x81: {  	_ =	shalt  }
0x82: {  	_ =	shalt  }
0x83: {  	_ =	shalt  }
0x84: {  	_ =	shalt  }
0x85: {  	_ =	shalt  }
0x86: {  	_ =	shalt  }
0x87: {  	_ =	shalt  }
.Lfunc_end0:
.L_simem_size_0:
called_computation_lowered:
.L_overlay_start_0:
0x88: {  	s2 =	sld [smem:$0x3FD9]  }
0x89: {  	s3 =	sld [smem:$0x3FFE];
	_ =	sdelay $0x1  }
0x8a: {  	s1 =	srdreg.scid  }
0x8b: {  	s0 =	sand.u32 $0x1, s1  }
0x8c: {  	s17 =	sshll.u32 s0, $0xA;
	s2 =	sadd.s32 s3, s2  }
0x8d: {  	s2 =	sadd.s32 s2, s17  }
0x8e: {  	[smem:$0x3FC4] =	sst s2  }
0x8f: {  	_ = 	snop  }
0x90: {  	s2 =	sld [smem:$0x3FC9]  }
0x91: {  	s18 =	sld [smem:$0x3FD0];
	(tm) =	ssettm $0x1  }
0x92: {  	s4 =	sld [smem:$0x3FFB];
	_ =	sdelay $0x3  }
0x93: {  	_ =	strace s4  }
0x94: {  	s4 =	sld [smem:$0x3FFC];
	_ =	sdelay $0x3  }
0x95: {  	_ =	strace s4  }
0x96: {  	s4 =	sld [smem:$0x3FFD];
	_ =	sdelay $0x3  }
0x97: {  	_ =	strace s4  }
0x98: {  	_ =	strace $0x8FFFFFFF  }
0x99: {  	s19 =	sld [smem:$0x3FDB];
	_ =	sdelay $0x1  }
0x9a: {  	s5 =	simm.s32 $_scs_section_size  }
0x9b: {  	s6 =	simm.s32 $_size__tile_overlayer_lowered;
	s7 =	simm.s32 $_tile_overlayer_lowered  }
0x9c: {  	s22 =	simm.s32 $0x1BFF;
	s21 =	sshll.u32 s7, $0x1;
	s4 =	sadd.s32 s5, s19  }
0x9d: {  	s8 =	simm.s32 $0x0;
	s20 =	sshll.u32 s6, $0x1;
	s6 =	sadd.s32 s21, s4  }
0x9e: {  	[timem:s8], [sflag:s22] =	dma.local [hbm:s6], s20  }
0x9f: {  	_ =	swait.ge [sflag:s22], s20  }
0xa0: {  	s5 =	ssub.s32 $0x0, s20;
	[sflag:s22] =	ssyncset.done $0x0  }
0xa1: {  	[sflag:s22] =	ssyncadd.s32 s5;
	_ =	sdelay $0x1  }
0xa2: {  	s23 =	simm.s32 $0x1B8B  }
0xa3: {  	_ =	swait.ge [sflag:s23], $0x1  }
0xa4: {  	[sflag:s23] =	ssyncset.done $0x0  }
0xa5: {  	s25 =	simm.s32 $0x1B8E;
	s24 =	sld [smem:$0x3FFE];
	[sflag:s23] =	ssyncadd.s32 $0xFFFFFFFF  }
0xa6: {  	s26 =	simm.s32 $execute0_lowered;
	[smem:$0x3FD2] =	sst s25  }
0xa7: {  	s6 =	sshll.u32 s26, $0x1;
	_ =	strace $0x80000046;
	[dreg:$0x1] =	wrdreg $0xFFFFFFFF  }
0xa8: {  	s28 =	simm.s32 $_size_execute0_lowered;
	s4 =	sadd.s32 s4, s6;
	[dreg:$0x0] =	wrdreg $0x0  }
0xa9: {  	s6 =	sshll.u32 s28, $0x1;
	[dreg:$0x2] =	wrdreg s4  }
0xaa: {  	[dreg:$0x3] =	wrdreg s6  }
0xab: {  	[dreg:$0x4] =	wrdreg $0xC0  }
0xac: {  	_ =	task [dreg:s8], $0x5FFFF  }
0xad: {  	[dreg:$0x1] =	wrdreg $0xFFFFFFFF  }
0xae: {  	[dreg:$0x0] =	wrdreg $0x60  }
0xaf: {  	[dreg:$0x2] =	wrdreg s2  }
0xb0: {  	[dreg:$0x3] =	wrdreg s18  }
0xb1: {  	[dreg:$0x4] =	wrdreg s24  }
0xb2: {  	[dreg:$0x5] =	wrdreg $0x0  }
0xb3: {  	[dreg:$0x6] =	wrdreg $0x138800  }
0xb4: {  	[dreg:$0x7] =	wrdreg $0x9  }
0xb5: {  	_ =	task.clear_ibuf [dreg:s8], $0x8FFFF;
	_ =	strace $0x90000046  }
0xb6: {  	s29 =	simm.s32 $0x9;
	_ =	strace $0x80000048  }
0xb7: {  	_ =	swait.ge [sflag:s29], $0x1  }
0xb8: {  	[sflag:s29] =	ssyncadd.s32 $0xFFFFFFFF  }
0xb9: {  	_ =	strace $0x90000048  }
0xba: {  	_ =	sfence  }
0xbb: {  	s30 =	sld [smem:$0x0];
	_ =	sdelay $0x2  }
0xbc: {  	s31 =	sshll.u32 s1, $0xD;
	s1 =	sshrl.u32 s1, $0x2  }
0xbd: {  	s3 =	sand.u32 $0x4000, s31;
	s1 =	sadd.s32 s1, s30  }
0xbe: {  	s0 =	sor.u32 s3, s0;
	s1 =	sshll.u32 s1, $0x11  }
0xbf: {  	s0 =	sor.u32 s1, s0  }
0xc0: {  	s0 =	sadd.s32 $0x8F2B, s0  }
0xc1: {  	[sflag:s0] =	ssyncadd.remote.s32 $0x1  }
0xc2: {  	_ =	sfence.sel $0xFFFF  }
0xc3: {  	[dreg:$0x0] =	wrdreg $0xFFFFFFFF;
	(pc) =	sbr.abs _section_cstart, $3  }
0xc4: {  	[dreg:$0x1] =	wrdreg $0xFFFFFFFF  }
0xc5: {  	_ =	task.clear_ibuf [dreg:s8], $0x2FFFF;
	_ =	strace $0x9FFFFFFF  }
0xc6: {  	(tm) =	ssettm $0x7FFFFFFF  }
0xc7: {  	_ =	shalt  }
tec
execute0_lowered:
.L_overlay_start_1:
0x0: {  	(tag) =	ssettag $0x1  }
0x1: {  	s0 =	srdreg.scid;
	s25 =	stileid.u32  }
0x2: {  	s5 =	sand.u32 $0x1, s0;
	s11 =	smul.u32 $0x2800, s25  }
0x3: {  	s1 =	smul.u32 $0x2800, s5  }
0x4: {  	s4 =	rddreg [dreg:$0x0];
	s10 =	sor.u32 $0x10, s25;
	s8 =	smul.u32 $0x138800, s5  }
0x5: {  	s6 =	rddreg [dreg:$0x1];
	s12 =	sor.u32 $0x20, s25;
	s24 =	smul.u32 $0x2800, s10  }
0x6: {  	s7 =	rddreg [dreg:$0x2];
	s14 =	sor.u32 $0x30, s25;
	s15 =	smul.u32 $0x2800, s12  }
0x7: {  	s29 =	simm.s32 $0x5;
	s17 =	sor.u32 $0x40, s25;
	s16 =	smul.u32 $0x2800, s14  }
0x8: {  	s28 =	simm.s32 $0x8;
	s19 =	sor.u32 $0x50, s25;
	s20 =	smul.u32 $0x2800, s17  }
0x9: {  	s30 =	simm.s32 $0x6;
	s21 =	sor.u32 $0x60, s25;
	s26 =	smul.u32 $0x2800, s19  }
0xa: {  	s31 =	simm.s32 $0x9;
	s0 =	sshll.u32 s25, $0xB;
	s23 =	smul.u32 $0x2800, s21  }
0xb: {  	s3 =	ssub.s32 $0x2, s5;
	s13 =	sshll.u32 s5, $0x4;
	s5 =	smul.u32 $0x271000, s5  }
0xc: {  	s22 =	sor.u32 $0x70, s25;
	p0 =	sgt.u32 s25, $0xC;
	s12 =	smul.u32 $0xA000, s12  }
0xd: {  	s14 =	smul.u32 $0xA000, s14;
	p1 =	sgt.u32 @!p0 s25, $0x4;
	s9 =	sshrl.u32 s3, $0x1  }
0xe: {  	s13 =	sor.u32 s25, s13;
	p1 =	por p0, p1;
	s2 =	sadd.s32 s0, s1  }
0xf: {  	s1 =	rddreg [dreg:$0x3];
	s3 =	ssub.s32 s3, s9;
	s18 =	sshll.u32 s13, $0xB  }
0x10: {  	s11 =	sadd.s32 s11, s8;
	s9 =	sadd.s32 s8, s24;
	s15 =	sadd.s32 s8, s15  }
0x11: {  	s24 =	smul.u32 $0x2800, s22;
	s16 =	sadd.s32 s8, s16;
	s20 =	sadd.s32 s8, s20  }
0x12: {  	s23 =	sadd.s32 s8, s23;
	s2 =	sshrl.u32 s2, $0x3;
	s6 =	sadd.s32 s18, s6  }
0x13: {  	s18 =	sadd.s32 s8, s26;
	s11 =	sshrl.u32 s11, $0x3;
	s9 =	sshrl.u32 s9, $0x3  }
0x14: {  	s26 =	sshrl.u32 s15, $0x3;
	s2 =	sadd.s32 s2, s7;
	s7 =	sadd.s32 $0x1800, s7  }
0x15: {  	s8 =	sadd.s32 s8, s24;
	s24 =	smul.u32 $0x27100, s13;
	s11 =	sadd.s32 s7, s11  }
0x16: {  	s13 =	smul.u32 $0x138800, s13;
	s9 =	sadd.s32 s7, s9;
	[dreg:$0x6] =	wrdreg s11  }
0x17: {  	s15 =	sadd.s32 s7, s26;
	s26 =	sshrl.u32 s16, $0x3;
	[dreg:$0x7] =	wrdreg s9  }
0x18: {  	s6 =	sadd.s32 $0x10000, s6;
	[dreg:$0x8] =	wrdreg s15;
	s9 =	sadd.s32 s7, s26  }
0x19: {  	s11 =	sshrl.u32 s20, $0x3;
	s15 =	sshrl.u32 s18, $0x3;
	s18 =	sshrl.u32 s23, $0x3  }
0x1a: {  	s20 =	smul.u32 $0xA000, s10;
	s23 =	sshrl.u32 s13, $0x3;
	s13 =	rddreg [dreg:$0x4]  }
0x1b: {  	s8 =	sshrl.u32 s8, $0x3;
	s26 =	smul.u32 $0xA000, s25;
	[dreg:$0x9] =	wrdreg s9  }
0x1c: {  	s9 =	sadd.s32 s7, s11;
	s11 =	sadd.s32 s4, s24;
	s24 =	smul.u32 $0x27100, s25  }
0x1d: {  	s16 =	sadd.s32 s7, s15;
	s15 =	smul.u32 $0xA000, s17;
	[dreg:$0xa] =	wrdreg s9  }
0x1e: {  	s17 =	smul.u32 $0xA000, s19;
	s0 =	sadd.s32 s0, s13;
	[dreg:$0xb] =	wrdreg s16  }
0x1f: {  	s9 =	sadd.s32 s7, s18;
	s7 =	sadd.s32 s7, s8;
	s8 =	sadd.s32 s4, s23  }
0x20: {  	s4 =	sadd.s32 s5, s4;
	s5 =	sshrl.u32 s26, $0x2;
	s16 =	sshrl.u32 s12, $0x2  }
0x21: {  	s26 =	smul.u32 $0xA000, s22;
	s25 =	sadd.s32 $0xF00, s11;
	[dreg:$0xc] =	wrdreg s9  }
0x22: {  	s9 =	simm.s32 $0x0;
	[dreg:$0xd] =	wrdreg s7;
	s4 =	sadd.s32 s24, s4  }
0x23: {  	s8 =	sadd.s32 $0x500, s8;
	s18 =	sadd.s32 s5, s1;
	s7 =	sshrl.u32 s20, $0x2  }
0x24: {  	s23 =	sadd.s32 s16, s1;
	s24 =	smul.u32 $0xA000, s21;
	[smem:$0x7FF] =	sst s9  }
0x25: {  	s5 =	sshrl.u32 s15, $0x2;
	_ =	strace $0x80000047;
	[dreg:$0xf] =	wrdreg s6  }
0x26: {  	s10 =	sshrl.u32 s17, $0x2;
	s7 =	sadd.s32 s7, s1;
	[dreg:$0x10] =	wrdreg s8  }
0x27: {  	s15 =	sadd.s32 $0xE00, s2;
	s16 =	smax.u32 s3, $0x1;
	[dreg:$0x12] =	wrdreg s7  }
0x28: {  	s2 =	simm.s32 $0x1A300;
	s3 =	simm.s32 $0x1CB00;
	[dreg:$0x13] =	wrdreg s23  }
0x29: {  	s20 =	sadd.s32 s5, s1;
	s21 =	sadd.s32 s10, s1;
	[dreg:$0x14] =	wrdreg s0  }
0x2a: {  	s17 =	sadd.s32 $0x2300, s4;
	s4 =	simm.s32 $0xB;
	[dreg:$0x15] =	wrdreg s15  }
0x2b: {  	s5 =	simm.s32 $0xA;
	s10 =	simm.s32 $0x2;
	[dreg:$0x16] =	wrdreg s16  }
0x2c: {  	s6 =	sshrl.u32 s14, $0x2;
	s12 =	sshrl.u32 s24, $0x2;
	[dreg:$0x17] =	wrdreg s17  }
0x2d: {  	s14 =	sshrl.u32 s26, $0x2;
	s24 =	sadd.s32 $0xA00, s11;
	[dreg:$0x19] =	wrdreg s25  }
0x2e: {  	[dreg:$0xe] =	wrdreg s11;
	s26 =	sadd.s32 $0x1400, s11;
	s17 =	simm.s32 $0x13B00  }
.Ltmp0:
0x2f: {  	s0 =	simm.s32 $0x17B00;
	s7 =	simm.s32 $0x50;
	(pc) =	sbr.rel .LBB2_1-.Ltmp0, $4  }
0x30: {  	s8 =	simm.s32 $0x1FB00;
	s15 =	simm.s32 $0x4;
	s11 =	simm.s32 $0x7  }
0x31: {  	s25 =	simm.s32 $0x3;
	[dreg:$0x11] =	wrdreg s18;
	s19 =	sadd.s32 s6, s1  }
0x32: {  	s22 =	sadd.s32 s12, s1;
	s23 =	sadd.s32 s14, s1;
	[dreg:$0x18] =	wrdreg s24  }
0x33: {  	v0 =	vimm.f32 $0.0e+00;
	v1 =	vimm.f32 $1.000000000e+00;
	[dreg:$0x1a] =	wrdreg s26;
	s6 =	simm.s32 $0x1;
	s14 =	simm.s32 $0x0  }
.LBB2_11:
0x34: {  	_ =	swait.ge [sflag:s29], $0x2800  }
0x35: {  	[sflag:s29] =	ssyncset.done $0x0  }
0x36: {  	[sflag:s29] =	ssyncadd.s32 $0xFFFFD800  }
0x37: {  	_ =	swait.ge [sflag:s28], $0x50  }
0x38: {  	[sflag:s28] =	ssyncset.done $0x0  }
0x39: {  	[sflag:s28] =	ssyncadd.s32 $0xFFFFFFB0  }
0x3a: {  	s12 =	stileid.u32;
	[bflag:$0x0] =	sbarrier.arrive $0xFFFF  }
0x3b: {  	s12 =	sshll.u32 s12, $0x6;
	s18 =	rddreg [dreg:$0x11]  }
0x3c: {  	s12 =	sor.u32 $0x1C0A, s12;
	s17 =	rddreg [dreg:$0x6];
	s16 =	sshrl.u32 s18, $0x3  }
0x3d: {  	[hbm:s17], [sflag:s12] =	dma.local [spmem:s16], $0x500  }
0x3e: {  	s16 =	rddreg [dreg:$0x12]  }
0x3f: {  	s17 =	rddreg [dreg:$0x7];
	s16 =	sshrl.u32 s16, $0x3  }
0x40: {  	[hbm:s17], [sflag:s12] =	dma.local [spmem:s16], $0x500  }
0x41: {  	s16 =	rddreg [dreg:$0x13]  }
0x42: {  	s17 =	rddreg [dreg:$0x8];
	s16 =	sshrl.u32 s16, $0x3  }
0x43: {  	[hbm:s17], [sflag:s12] =	dma.local [spmem:s16], $0x500  }
0x44: {  	s26 =	sshrl.u32 s19, $0x3;
	s17 =	rddreg [dreg:$0x9]  }
0x45: {  	[hbm:s17], [sflag:s12] =	dma.local [spmem:s26], $0x500  }
0x46: {  	s24 =	sshrl.u32 s20, $0x3;
	s17 =	rddreg [dreg:$0xa]  }
0x47: {  	[hbm:s17], [sflag:s12] =	dma.local [spmem:s24], $0x500  }
0x48: {  	s26 =	sshrl.u32 s21, $0x3;
	s17 =	rddreg [dreg:$0xb]  }
0x49: {  	[hbm:s17], [sflag:s12] =	dma.local [spmem:s26], $0x500  }
0x4a: {  	s24 =	sshrl.u32 s22, $0x3;
	s17 =	rddreg [dreg:$0xc]  }
0x4b: {  	[hbm:s17], [sflag:s12] =	dma.local [spmem:s24], $0x500  }
0x4c: {  	s16 =	sshrl.u32 @!p0 s23, $0x3;
	s17 =	rddreg [dreg:$0xd]  }
0x4d: {  	[hbm:s17], [sflag:s12] =	dma.local @!p0 [spmem:s16], $0x500  }
0x4e: {  	s16 =	rddreg [dreg:$0x14]  }
0x4f: {  	s17 =	rddreg [dreg:$0x15];
	s16 =	sshrl.u32 @p2 s16, $0x3  }
0x50: {  	[hbm:s17], [sflag:s12] =	dma.local @p2 [spmem:s16], $0x100  }
0x51: {  	_ =	swait.ge [sflag:s5], $0x500  }
0x52: {  	[sflag:s5] =	ssyncset.done $0x0  }
0x53: {  	[sflag:s5] =	ssyncadd.s32 $0xFFFFFB00  }
0x54: {  	_ =	swait.ge [sflag:s5], $0x500  }
0x55: {  	[sflag:s5] =	ssyncset.done $0x0  }
0x56: {  	[sflag:s5] =	ssyncadd.s32 $0xFFFFFB00  }
0x57: {  	_ =	swait.ge [sflag:s5], $0x500  }
0x58: {  	[sflag:s5] =	ssyncset.done $0x0  }
0x59: {  	[sflag:s5] =	ssyncadd.s32 $0xFFFFFB00  }
0x5a: {  	_ =	swait.ge [sflag:s5], $0x500  }
0x5b: {  	[sflag:s5] =	ssyncset.done $0x0  }
0x5c: {  	[sflag:s5] =	ssyncadd.s32 $0xFFFFFB00  }
0x5d: {  	_ =	swait.ge [sflag:s5], $0x500  }
0x5e: {  	[sflag:s5] =	ssyncset.done $0x0  }
0x5f: {  	[sflag:s5] =	ssyncadd.s32 $0xFFFFFB00  }
0x60: {  	_ =	swait.ge [sflag:s5], $0x500  }
0x61: {  	[sflag:s5] =	ssyncset.done $0x0  }
0x62: {  	[sflag:s5] =	ssyncadd.s32 $0xFFFFFB00  }
0x63: {  	_ =	swait.ge [sflag:s5], $0x500  }
0x64: {  	[sflag:s5] =	ssyncset.done $0x0  }
0x65: {  	s12 =	simm.s32 @!p0 $0xA;
	[sflag:s5] =	ssyncadd.s32 $0xFFFFFB00  }
0x66: {  	_ =	swait.ge @!p0 [sflag:s12], $0x500  }
0x67: {  	[sflag:s12] =	ssyncset.done @!p0 $0x0  }
0x68: {  	[sflag:s12] =	ssyncadd.s32 @!p0 $0xFFFFFB00;
	s12 =	simm.s32 @p2 $0xA  }
0x69: {  	_ =	swait.ge @p2 [sflag:s12], $0x100  }
0x6a: {  	s14 =	sadd.s32 $0x1, s14;
	s26 =	rddreg [dreg:$0x16]  }
0x6b: {  	p3 =	sne.s32 s14, s26  }
.Ltmp1:
0x6c: {  	_ = 	snop;
	(pc) =	sbr.rel @!p3 .LBB2_12-.Ltmp1, $3  }
0x6d: {  	_ =	sdelay $0x1  }
0x6e: {  	[sflag:s12] =	ssyncset.done @p2 $0x0  }
0x6f: {  	s17 =	simm.s32 $0x13B00;
	[sflag:s12] =	ssyncadd.s32 @p2 $0xFFFFFF00  }
.LBB2_1:
0x70: {  	s12 =	rddreg [dreg:$0xf]  }
0x71: {  	[tilespmem:s17], [sflag:$0xA] =	stream.linear.gather [hbm4b:s12+s9], $0x3E80, $0x38;
	[tilespmem:$0x1FB80] =	vst v63  }
0x72: {  	s16 =	rddreg [dreg:$0xe]  }
0x73: {  	[tilespmem:s0], [sflag:$0x1] =	stream.linear.gather [hbm4b:s16+s9], $0x2800, $0x38;
	[tilespmem:$0x1FB80] =	vst v63  }
0x74: {  	s24 =	rddreg [dreg:$0x10];
	s26 =	sand.u32 $0xFE00, s9  }
0x75: {  	[tilespmem:s2], [sflag:$0x2] =	stream.linear.gather [hbm4b:s24+s9], $0x2800, $0x38;
	[tilespmem:$0x1FB80] =	vst v63  }
0x76: {  	s26 =	sshrl.u32 s26, $0x2;
	s24 =	sand.u32 $0x70, s9  }
0x77: {  	s12 =	simm.s32 $0x40;
	s26 =	sor.u32 s24, s26;
	s24 =	simm.s32 $0x0  }
.LBB2_2:
0x78: {  	p2 =	sne.s32 s12, $0x9FC0  }
0x79: {  	[tilespmem:s26+$0x1CB00] =	vst v0;
	s24 =	sadd.s32 $0x10, s24;
	s26 =	smov.u32 s12;
	s12 =	sadd.s32 $0x40, s12  }
.Ltmp2:
0x7a: {  	(pc) =	sbr.rel @p2 .LBB2_2-.Ltmp2, $4  }
0x7b: {  	_ = 	snop  }
0x7c: {  	s26 =	sand.u32 $0xFE00, s26  }
0x7d: {  	s16 =	sand.u32 $0x70, s24;
	s26 =	sshrl.u32 s26, $0x2  }
0x7e: {  	s26 =	sor.u32 s16, s26  }
0x7f: {  	[tilespmem:s26+$0x1CB00] =	vst v0  }
0x80: {  	[tilespmem:$0x1FB00] =	vst v1  }
0x81: {  	[tilespmem:$0x1FB10] =	vst v1  }
0x82: {  	[tilespmem:$0x1FB20] =	vst v1  }
0x83: {  	[tilespmem:$0x1FB30] =	vst v1  }
0x84: {  	[tilespmem:$0x1FB40] =	vst v1  }
0x85: {  	[spmem:s18] =	stream.linear.scatter [tilespmem:s3], [sflag:$0xB], $0x2800, $0x38;
	[tilespmem:$0x1FB80] =	vst v63  }
0x86: {  	_ =	swait.ge [sflag:s4], $0x2800  }
0x87: {  	[sflag:s4] =	ssyncset.done $0x0  }
0x88: {  	s12 =	rddreg [dreg:$0x12];
	[sflag:s4] =	ssyncadd.s32 $0xFFFFD800  }
0x89: {  	[spmem:s12] =	stream.linear.scatter [tilespmem:s3], [sflag:$0xB], $0x2800, $0x38;
	[tilespmem:$0x1FB80] =	vst v63  }
0x8a: {  	_ =	swait.ge [sflag:s4], $0x2800  }
0x8b: {  	[sflag:s4] =	ssyncset.done $0x0  }
0x8c: {  	s26 =	rddreg [dreg:$0x13];
	[sflag:s4] =	ssyncadd.s32 $0xFFFFD800  }
0x8d: {  	[spmem:s26] =	stream.linear.scatter [tilespmem:s3], [sflag:$0xB], $0x2800, $0x38;
	[tilespmem:$0x1FB80] =	vst v63  }
0x8e: {  	_ =	swait.ge [sflag:s4], $0x2800  }
0x8f: {  	[sflag:s4] =	ssyncset.done $0x0  }
0x90: {  	[sflag:s4] =	ssyncadd.s32 $0xFFFFD800  }
0x91: {  	[spmem:s19] =	stream.linear.scatter [tilespmem:s3], [sflag:$0xB], $0x2800, $0x38;
	[tilespmem:$0x1FB80] =	vst v63  }
0x92: {  	_ =	swait.ge [sflag:s4], $0x2800  }
0x93: {  	[sflag:s4] =	ssyncset.done $0x0  }
0x94: {  	[sflag:s4] =	ssyncadd.s32 $0xFFFFD800  }
0x95: {  	[spmem:s20] =	stream.linear.scatter [tilespmem:s3], [sflag:$0xB], $0x2800, $0x38;
	[tilespmem:$0x1FB80] =	vst v63  }
0x96: {  	_ =	swait.ge [sflag:s4], $0x2800  }
0x97: {  	[sflag:s4] =	ssyncset.done $0x0  }
0x98: {  	[sflag:s4] =	ssyncadd.s32 $0xFFFFD800  }
0x99: {  	[spmem:s21] =	stream.linear.scatter [tilespmem:s3], [sflag:$0xB], $0x2800, $0x38;
	[tilespmem:$0x1FB80] =	vst v63  }
0x9a: {  	_ =	swait.ge [sflag:s4], $0x2800  }
0x9b: {  	[sflag:s4] =	ssyncset.done $0x0  }
0x9c: {  	[sflag:s4] =	ssyncadd.s32 $0xFFFFD800  }
0x9d: {  	[spmem:s22] =	stream.linear.scatter [tilespmem:s3], [sflag:$0xB], $0x2800, $0x38;
	[tilespmem:$0x1FB80] =	vst v63  }
0x9e: {  	_ =	swait.ge [sflag:s4], $0x2800  }
0x9f: {  	[sflag:s4] =	ssyncset.done $0x0  }
0xa0: {  	s12 =	simm.s32 @!p0 $0x1CB00;
	[sflag:s4] =	ssyncadd.s32 $0xFFFFD800  }
0xa1: {  	[spmem:s23] =	stream.linear.scatter @!p0 [tilespmem:s12], [sflag:$0xB], $0x2800, $0x38;
	[tilespmem:$0x1FB80] =	vst v63  }
.Ltmp3:
0xa2: {  	_ = 	snop;
	(pc) =	sbr.rel @p1 .LBB2_4-.Ltmp3, $4  }
0xa3: {  	s12 =	simm.s32 @!p0 $0xB  }
0xa4: {  	_ =	swait.ge @!p0 [sflag:s12], $0x2800  }
0xa5: {  	[sflag:s12] =	ssyncset.done @!p0 $0x0  }
0xa6: {  	[sflag:s12] =	ssyncadd.s32 @!p0 $0xFFFFD800  }
0xa7: {  	s12 =	simm.s32 $0x40;
	s24 =	simm.s32 $0x0  }
.LBB2_6:
0xa8: {  	p2 =	sne.s32 s12, $0x1FC0;
	[tilespmem:s24+$0x1F300] =	vst v0;
	s16 =	smov.u32 s12;
	s12 =	sadd.s32 $0x40, s12  }
.Ltmp4:
0xa9: {  	(pc) =	sbr.rel @p2 .LBB2_6-.Ltmp4, $2  }
0xaa: {  	_ =	sdelay $0x2  }
0xab: {  	s24 =	sshra.s32 s16, $0x2  }
.Ltmp5:
0xac: {  	[tilespmem:s24+$0x1F300] =	vst v0;
	s12 =	rddreg [dreg:$0x14];
	s16 =	simm.s32 $0x1F300;
	(pc) =	sbr.rel .LBB2_8-.Ltmp5, $4  }
0xad: {  	[spmem:s12] =	stream.linear.scatter [tilespmem:s16], [sflag:$0xB], $0x800, $0x38;
	[tilespmem:$0x1FB80] =	vst v63  }
0xae: {  	_ =	swait.ge [sflag:s4], $0x800  }
0xaf: {  	[sflag:s4] =	ssyncset.done $0x0  }
0xb0: {  	p2 =	por $0x1, $0x1;
	[sflag:s4] =	ssyncadd.s32 $0xFFFFF800  }
.LBB2_4:
0xb1: {  	p3 =	por @!p0 $0x0, $0x0;
	p2 =	por $0x0, $0x0  }
0xb2: {  	p2 =	por @!p0 p3, p3  }
.LBB2_8:
0xb3: {  	[bflag:$0x0] =	sbarrier.arrive $0xFFFF  }
0xb4: {  	_ =	swait.ge [sflag:s5], $0x3E80  }
0xb5: {  	[sflag:s5] =	ssyncset.done $0x0  }
0xb6: {  	[sflag:s5] =	ssyncadd.s32 $0xFFFFC180  }
0xb7: {  	_ =	swait.ge [sflag:s6], $0x2800  }
0xb8: {  	[sflag:s6] =	ssyncset.done $0x0  }
0xb9: {  	[sflag:s6] =	ssyncadd.s32 $0xFFFFD800  }
0xba: {  	[spmem:s1] =	stream.indirect.scatter.add.f32 [tilespmem:s0], [sflag:$0x4], $0x80, s17, s7, $0xb8;
	[tilespmem:$0x1FB80] =	vst v63  }
0xbb: {  	_ = 	snop  }
0xbc: {  	[spmem:s13] =	stream.indirect.scatter.add.f32 [tilespmem:s8], [sflag:$0x7], $0x1, s17, s7, $0xb8;
	[tilespmem:$0x1FB80] =	vst v63  }
0xbd: {  	s26 =	simm.s32 $0x0;
	s12 =	rddreg [dreg:$0x18]  }
0xbe: {  	[tilespmem:s3], [sflag:$0x3] =	stream.linear.gather [hbm4b:s12+s26], $0x2800, $0x38;
	[tilespmem:$0x1FB80] =	vst v63  }
0xbf: {  	_ =	swait.ge [sflag:s10], $0x2800  }
0xc0: {  	[sflag:s10] =	ssyncset.done $0x0  }
0xc1: {  	s16 =	simm.s32 $0x13B80;
	[sflag:s10] =	ssyncadd.s32 $0xFFFFD800  }
0xc2: {  	[spmem:s1] =	stream.indirect.scatter.add.f32 [tilespmem:s2], [sflag:$0x5], $0x80, s16, s7, $0xb8;
	[tilespmem:$0x1FB80] =	vst v63  }
0xc3: {  	_ = 	snop  }
0xc4: {  	[spmem:s13] =	stream.indirect.scatter.add.f32 [tilespmem:s8], [sflag:$0x8], $0x1, s16, s7, $0xb8;
	[tilespmem:$0x1FB80] =	vst v63  }
0xc5: {  	_ =	swait.ge [sflag:s15], $0x2800  }
0xc6: {  	[sflag:s15] =	ssyncset.done $0x0  }
0xc7: {  	[sflag:s15] =	ssyncadd.s32 $0xFFFFD800  }
0xc8: {  	_ =	swait.ge [sflag:s11], $0x50  }
0xc9: {  	[sflag:s11] =	ssyncset.done $0x0  }
0xca: {  	s17 =	rddreg [dreg:$0x19];
	[sflag:s11] =	ssyncadd.s32 $0xFFFFFFB0  }
0xcb: {  	[tilespmem:s0], [sflag:$0x1] =	stream.linear.gather [hbm4b:s17+s26], $0x2800, $0x38;
	[tilespmem:$0x1FB80] =	vst v63  }
0xcc: {  	_ =	swait.ge [sflag:s25], $0x2800  }
0xcd: {  	[sflag:s25] =	ssyncset.done $0x0  }
0xce: {  	s18 =	simm.s32 $0x13C00;
	[sflag:s25] =	ssyncadd.s32 $0xFFFFD800  }
0xcf: {  	[spmem:s1] =	stream.indirect.scatter.add.f32 [tilespmem:s3], [sflag:$0x6], $0x80, s18, s7, $0xb8;
	[tilespmem:$0x1FB80] =	vst v63  }
0xd0: {  	_ = 	snop  }
0xd1: {  	[spmem:s13] =	stream.indirect.scatter.add.f32 [tilespmem:s8], [sflag:$0x9], $0x1, s18, s7, $0xb8;
	[tilespmem:$0x1FB80] =	vst v63  }
0xd2: {  	_ =	swait.ge [sflag:s29], $0x2800  }
0xd3: {  	[sflag:s29] =	ssyncset.done $0x0  }
0xd4: {  	[sflag:s29] =	ssyncadd.s32 $0xFFFFD800  }
0xd5: {  	_ =	swait.ge [sflag:s28], $0x50  }
0xd6: {  	[sflag:s28] =	ssyncset.done $0x0  }
0xd7: {  	s24 =	rddreg [dreg:$0x1a];
	[sflag:s28] =	ssyncadd.s32 $0xFFFFFFB0  }
0xd8: {  	[tilespmem:s2], [sflag:$0x2] =	stream.linear.gather [hbm4b:s24+s26], $0x2800, $0x38;
	[tilespmem:$0x1FB80] =	vst v63  }
0xd9: {  	s24 =	rddreg [dreg:$0x17]  }
.LBB2_9:
0xda: {  	_ =	swait.ge [sflag:s6], $0x2800  }
0xdb: {  	s12 =	sshra.s32 s26, $0x2;
	[sflag:s6] =	ssyncset.done $0x0  }
0xdc: {  	s16 =	sadd.s32 $0x13C80, s12;
	[sflag:s6] =	ssyncadd.s32 $0xFFFFD800  }
0xdd: {  	[spmem:s1] =	stream.indirect.scatter.add.f32 [tilespmem:s0], [sflag:$0x4], $0x80, s16, s7, $0xb8;
	[tilespmem:$0x1FB80] =	vst v63  }
0xde: {  	_ = 	snop  }
0xdf: {  	[spmem:s13] =	stream.indirect.scatter.add.f32 [tilespmem:s8], [sflag:$0x7], $0x1, s16, s7, $0xb8;
	[tilespmem:$0x1FB80] =	vst v63  }
0xe0: {  	_ =	swait.ge [sflag:s30], $0x2800  }
0xe1: {  	[sflag:s30] =	ssyncset.done $0x0  }
0xe2: {  	[sflag:s30] =	ssyncadd.s32 $0xFFFFD800  }
0xe3: {  	p3 =	seq.s32 s26, $0xF000;
	_ =	swait.ge [sflag:s31], $0x50  }
0xe4: {  	s17 =	simm.s32 @!p3 $0x0;
	[sflag:s31] =	ssyncset.done $0x0  }
0xe5: {  	s18 =	simm.s32 @!p3 $0x1CB00;
	s16 =	sadd.s32 @!p3 $0xFFFFF600, s24;
	[sflag:s31] =	ssyncadd.s32 $0xFFFFFFB0  }
0xe6: {  	[tilespmem:s18], [sflag:$0x3] =	stream.linear.gather @!p3 [hbm4b:s16+s17], $0x2800, $0x38;
	[tilespmem:$0x1FB80] =	vst v63  }
0xe7: {  	_ =	swait.ge [sflag:s10], $0x2800  }
0xe8: {  	[sflag:s10] =	ssyncset.done $0x0  }
0xe9: {  	s18 =	sadd.s32 $0x13D00, s12;
	[sflag:s10] =	ssyncadd.s32 $0xFFFFD800  }
0xea: {  	[spmem:s1] =	stream.indirect.scatter.add.f32 [tilespmem:s2], [sflag:$0x5], $0x80, s18, s7, $0xb8;
	[tilespmem:$0x1FB80] =	vst v63  }
0xeb: {  	_ = 	snop  }
0xec: {  	[spmem:s13] =	stream.indirect.scatter.add.f32 [tilespmem:s8], [sflag:$0x8], $0x1, s18, s7, $0xb8;
	[tilespmem:$0x1FB80] =	vst v63  }
0xed: {  	_ =	swait.ge [sflag:s15], $0x2800  }
.Ltmp6:
0xee: {  	[sflag:s15] =	ssyncset.done $0x0;
	(pc) =	sbr.rel @p3 .LBB2_11-.Ltmp6, $4  }
0xef: {  	[sflag:s15] =	ssyncadd.s32 $0xFFFFD800  }
0xf0: {  	_ =	swait.ge [sflag:s11], $0x50  }
0xf1: {  	[sflag:s11] =	ssyncset.done $0x0  }
0xf2: {  	[sflag:s11] =	ssyncadd.s32 $0xFFFFFFB0  }
0xf3: {  	s16 =	sadd.s32 $0xFFFFFB00, s24  }
0xf4: {  	[tilespmem:s0], [sflag:$0x1] =	stream.linear.gather [hbm4b:s16+s9], $0x2800, $0x38;
	[tilespmem:$0x1FB80] =	vst v63  }
0xf5: {  	_ =	swait.ge [sflag:s25], $0x2800  }
0xf6: {  	[sflag:s25] =	ssyncset.done $0x0  }
0xf7: {  	s12 =	sadd.s32 $0x13D80, s12;
	[sflag:s25] =	ssyncadd.s32 $0xFFFFD800  }
0xf8: {  	[spmem:s1] =	stream.indirect.scatter.add.f32 [tilespmem:s3], [sflag:$0x6], $0x80, s12, s7, $0xb8;
	[tilespmem:$0x1FB80] =	vst v63  }
0xf9: {  	_ = 	snop  }
0xfa: {  	[spmem:s13] =	stream.indirect.scatter.add.f32 [tilespmem:s8], [sflag:$0x9], $0x1, s12, s7, $0xb8;
	[tilespmem:$0x1FB80] =	vst v63  }
0xfb: {  	_ =	swait.ge [sflag:s29], $0x2800  }
0xfc: {  	[sflag:s29] =	ssyncset.done $0x0  }
0xfd: {  	[sflag:s29] =	ssyncadd.s32 $0xFFFFD800  }
.Ltmp7:
0xfe: {  	_ =	swait.ge [sflag:s28], $0x50;
	(pc) =	sbr.rel .LBB2_9-.Ltmp7, $4  }
0xff: {  	[sflag:s28] =	ssyncset.done $0x0  }
0x100: {  	[sflag:s28] =	ssyncadd.s32 $0xFFFFFFB0  }
0x101: {  	[tilespmem:s2], [sflag:$0x2] =	stream.linear.gather [hbm4b:s24+s9], $0x2800, $0x38;
	[tilespmem:$0x1FB80] =	vst v63  }
0x102: {  	s26 =	sadd.s32 $0x600, s26;
	s24 =	sadd.s32 $0xF00, s24  }
.LBB2_12:
0x103: {  	_ =	sfence.sel $0x180000  }
0x104: {  	[bflag:$0x0] =	sbarrier.arrive $0xFFFF  }
0x105: {  	_ =	strace $0x90000047  }
0x106: {  	s0 =	stileid.u32;
	[bflag:$0x2] =	sbarrier.arrive $0xFFFF  }
0x107: {  	p0 =	sne.s32 s0, $0x0;
	s0 =	rddreg [dreg:$0x5]  }
0x108: {  	s0 =	sadd.s32 @!p0 $0x100000, s0  }
0x109: {  	[sflag:s0] =	ssyncadd.tile.s32 @!p0 $0x1;
	_ =	shalt  }
.Lfunc_end2:
_tile_overlayer_lowered:
.L_overlay_start_2:
0x10a: {  	(tag) =	ssettag $0x2  }
0x10b: {  	s0 =	rddreg [dreg:$0x0];
	s2 =	stileid.u32  }
0x10c: {  	s1 =	rddreg [dreg:$0x1];
	p0 =	sne.s32 s2, $0x0  }
0x10d: {  	s3 =	rddreg [dreg:$0x2];
	[bflag:$0x3] =	sbarrier.arrive $0xFFFF;
	s2 =	simm.s32 @!p0 $0x1C0B  }
0x10e: {  	[timem:s3], [sflag:s2] =	dma.local @!p0 [hbm:s0], s1  }
0x10f: {  	s0 =	simm.s32 @!p0 $0xB  }
0x110: {  	_ =	swait.ge @!p0 [sflag:s0], s1  }
0x111: {  	s1 =	ssub.s32 @!p0 $0x0, s1;
	[sflag:s0] =	ssyncset.done @!p0 $0x0  }
0x112: {  	[sflag:s0] =	ssyncadd.s32 @!p0 s1  }
0x113: {  	[bflag:$0x3] =	sbarrier.arrive $0xFFFF  }
0x114: {  	_ =	shalt  }

</sc_bundles>
